<compile_context>
chip_gen: v7x
topology: tpu7x:2x2x1
jax: 0.10.2.dev20260603
libtpu: 0.0.44.dev20260713+nightly
codegen_flags: <defaults>
</compile_context>

<pallas_src>
import functools

import numpy as np
import jax
import jax.numpy as jnp
from jax import lax
from jax.experimental import pallas as pl
from jax.experimental.pallas import tpu as pltpu
from jax.experimental.pallas import tpu_sc as plsc

_FIELD_DIMS = [100000] * 26
_NF = len(_FIELD_DIMS)
_ED = 16
_B = 16384
_EOD = _NF * _ED
_TOTAL = sum(_FIELD_DIMS)
_OFFSETS = np.concatenate([[0], np.cumsum(_FIELD_DIMS)[:-1]]).astype(np.int32)

_NC, _NS = 2, 16
_NW = _NC * _NS
_BNF = _B * _NF
_GW = 128
_NROW = _BNF // _GW
_ROWS_W = _NROW // _NW

_SEL = (np.arange(_EOD)[:, None] % _ED == np.arange(_ED)[None, :]).astype(np.float32)

_TL = 16384
_TROW = _TOTAL // 8
_TBL = _TL // 8
_TGRID = -(-_TOTAL // _TL)


def _relayout_body(et_ref, i16_ref, out_ref):
    t = lax.dot_general(
        et_ref[...], i16_ref[...], (((0,), (0,)), ((), ())),
        preferred_element_type=jnp.float32)
    t3 = t.reshape(_TBL, 8, _ED)
    parts = [t3[:, s, :] for s in range(8)]
    out_ref[...] = jnp.concatenate(parts, axis=1)


_relayout = pl.pallas_call(
    _relayout_body,
    grid=(_TGRID,),
    in_specs=[
        pl.BlockSpec((_ED, _TL), lambda i: (0, i)),
        pl.BlockSpec((_ED, _ED), lambda i: (0, 0)),
    ],
    out_specs=pl.BlockSpec((_TBL, 128), lambda i: (i, 0)),
    out_shape=jax.ShapeDtypeStruct((_TROW, 128), jnp.float32),
)



_K = 8
_NG = _ROWS_W // _K


def _sc_gather_body(idx_hbm, emb_hbm, lin_hbm, emb_out, lin_out,
                    idx_v, rows_v, linv, sem_e, sem_l):
    wid = lax.axis_index("s") * _NC + lax.axis_index("c")
    row0 = wid * _ROWS_W
    pltpu.sync_copy(idx_hbm.at[pl.ds(row0, _ROWS_W)], idx_v)

    @pl.loop(0, _NG)
    def _(g):
        t0 = g * _K
        cps = []
        for k in range(_K):
            idx_row = idx_v.at[t0 + k]
            cps.append(pltpu.async_copy(
                emb_hbm.at[idx_row], rows_v.at[pl.ds(k * _GW, _GW)], sem_e))
            cps.append(pltpu.async_copy(
                lin_hbm.at[idx_row], linv.at[pl.ds(k * _GW, _GW)], sem_l))
        for cp in cps:
            cp.wait()
        base = (row0 + t0) * _GW
        pltpu.sync_copy(rows_v, emb_out.at[pl.ds(base, _K * _GW)])
        pltpu.sync_copy(linv, lin_out.at[pl.ds(base, _K * _GW)])


@functools.cache
def _sc_gather():
    return pl.kernel(
        _sc_gather_body,
        out_type=(
            jax.ShapeDtypeStruct((_BNF, _ED), jnp.float32),
            jax.ShapeDtypeStruct((_BNF,), jnp.float32),
        ),
        scratch_types=[
            pltpu.VMEM((_ROWS_W, _GW), jnp.int32),
            pltpu.VMEM((_K * _GW, _ED), jnp.float32),
            pltpu.VMEM((_K * _GW,), jnp.float32),
            pltpu.SemaphoreType.DMA,
            pltpu.SemaphoreType.DMA,
        ],
        mesh=plsc.VectorSubcoreMesh(core_axis_name="c", subcore_axis_name="s"),
        compiler_params=pltpu.CompilerParams(use_tc_tiling_on_sc=False),
    )


_BB = 2048
_NB = _B // _BB
_H1, _H2 = 128, 64


def _stage_a_body(emb_ref, lin_ref, lb_ref, w1_ref, b1_ref, sel_ref,
                  h1_ref, fmlin_ref, st1_ref):
    i = pl.program_id(0)
    e = emb_ref[...]
    vsum = jnp.dot(e, sel_ref[...], preferred_element_type=jnp.float32)
    sum_sq = jnp.sum(vsum * vsum, axis=1, keepdims=True)
    sq_sum = jnp.sum(e * e, axis=1, keepdims=True)
    fm = 0.5 * (sum_sq - sq_sum)
    linear = jnp.sum(lin_ref[...], axis=1, keepdims=True) + lb_ref[...]
    fmlin_ref[...] = fm + linear
    h = jnp.dot(e, w1_ref[...], preferred_element_type=jnp.float32) + b1_ref[...]
    h1_ref[...] = h
    part = jnp.concatenate(
        [jnp.sum(h, axis=0, keepdims=True),
         jnp.sum(h * h, axis=0, keepdims=True)], axis=0)

    @pl.when(i == 0)
    def _():
        st1_ref[...] = jnp.zeros_like(st1_ref)

    st1_ref[...] += part


def _stage_b_body(h1_ref, st1_ref, g1_ref, be1_ref, w2_ref, b2_ref,
                  h2_ref, st2_ref):
    i = pl.program_id(0)
    s = st1_ref[...]
    m = s[0:1, :] / _B
    v = s[1:2, :] / _B - m * m
    a = jnp.maximum(g1_ref[...] * (h1_ref[...] - m) / jnp.sqrt(v + 1e-5)
                    + be1_ref[...], 0.0)
    h = jnp.dot(a, w2_ref[...], preferred_element_type=jnp.float32) + b2_ref[...]
    h2_ref[...] = h
    part = jnp.concatenate(
        [jnp.sum(h, axis=0, keepdims=True),
         jnp.sum(h * h, axis=0, keepdims=True)], axis=0)

    @pl.when(i == 0)
    def _():
        st2_ref[...] = jnp.zeros_like(st2_ref)

    st2_ref[...] += part


def _stage_c_body(h2_ref, st2_ref, fmlin_ref, g2_ref, be2_ref, w3_ref, b3_ref,
                  out_ref):
    s = st2_ref[...]
    m = s[0:1, :] / _B
    v = s[1:2, :] / _B - m * m
    a = jnp.maximum(g2_ref[...] * (h2_ref[...] - m) / jnp.sqrt(v + 1e-5)
                    + be2_ref[...], 0.0)
    mlp = jnp.dot(a, w3_ref[...], preferred_element_type=jnp.float32) + b3_ref[...]
    out_ref[...] = jax.nn.sigmoid(fmlin_ref[...] + mlp)


def _bspec(shape_block, blocked_dim0=False):
    if blocked_dim0:
        return pl.BlockSpec(shape_block, lambda i: (i,) + (0,) * (len(shape_block) - 1))
    return pl.BlockSpec(shape_block, lambda i: (0,) * len(shape_block))


_stage_a = pl.pallas_call(
    _stage_a_body,
    grid=(_NB,),
    in_specs=[
        _bspec((_BB, _EOD), True),
        _bspec((_BB, _NF), True),
        _bspec((1,)),
        _bspec((_EOD, _H1)),
        _bspec((_H1,)),
        _bspec((_EOD, _ED)),
    ],
    out_specs=(
        _bspec((_BB, _H1), True),
        _bspec((_BB, 1), True),
        _bspec((2, _H1)),
    ),
    out_shape=(
        jax.ShapeDtypeStruct((_B, _H1), jnp.float32),
        jax.ShapeDtypeStruct((_B, 1), jnp.float32),
        jax.ShapeDtypeStruct((2, _H1), jnp.float32),
    ),
)

_stage_b = pl.pallas_call(
    _stage_b_body,
    grid=(_NB,),
    in_specs=[
        _bspec((_BB, _H1), True),
        _bspec((2, _H1)),
        _bspec((_H1,)),
        _bspec((_H1,)),
        _bspec((_H1, _H2)),
        _bspec((_H2,)),
    ],
    out_specs=(
        _bspec((_BB, _H2), True),
        _bspec((2, _H2)),
    ),
    out_shape=(
        jax.ShapeDtypeStruct((_B, _H2), jnp.float32),
        jax.ShapeDtypeStruct((2, _H2), jnp.float32),
    ),
)

_stage_c = pl.pallas_call(
    _stage_c_body,
    grid=(_NB,),
    in_specs=[
        _bspec((_BB, _H2), True),
        _bspec((2, _H2)),
        _bspec((_BB, 1), True),
        _bspec((_H2,)),
        _bspec((_H2,)),
        _bspec((_H2, 1)),
        _bspec((1,)),
    ],
    out_specs=_bspec((_BB, 1), True),
    out_shape=jax.ShapeDtypeStruct((_B, 1), jnp.float32),
)


def kernel(x, emb_table, lin_table, lin_bias, W1, b1, g1, be1,
           W2, b2, g2, be2, W3, b3):
    idx = (x + jnp.asarray(_OFFSETS)[None, :]).reshape(_NROW, _GW)
    emb_rm = _relayout(emb_table.T,
                       jnp.eye(_ED, dtype=jnp.float32)).reshape(_TOTAL, _ED)
    emb_rows, lin_rows = _sc_gather()(idx, emb_rm, lin_table.reshape(-1))
    emb_flat = emb_rows.reshape(_B, _EOD)
    lin_vals = lin_rows.reshape(_B, _NF)
    h1, fmlin, st1 = _stage_a(emb_flat, lin_vals, lin_bias, W1, b1,
                              jnp.asarray(_SEL))
    h2, st2 = _stage_b(h1, st1, g1, be1, W2, b2)
    out = _stage_c(h2, st2, fmlin, g2, be2, W3, b3)
    return out.reshape(_B)

# --- scband reference (transcript-rebuilt; emitter-appended) ---
"""Pipeline reference for scband-deep-factorization-machine-88029649698912 (READ-ONLY COPY).

The authoritative reference and input builder live on the scoring server;
editing this copy changes nothing except your own understanding.
"""

import jax, jax.numpy as jnp
import numpy as np

FIELD_DIMS = [100000] * 26
NF = len(FIELD_DIMS)
EMBED_DIM = 16
MLP_DIMS = [128, 64]
B = 16384
EOD = NF * EMBED_DIM
TOTAL = int(sum(FIELD_DIMS))
OFFSETS = jnp.asarray(np.concatenate([[0], np.cumsum(FIELD_DIMS)[:-1]]).astype(np.int32))


def setup_inputs(seed: int = 0):
    key = jax.random.key(seed)
    ks = jax.random.split(key, 12)
    x = jax.random.randint(ks[0], (B, NF), 0, 100000, dtype=jnp.int32)
    emb_table = jax.random.normal(ks[1], (TOTAL, EMBED_DIM), dtype=jnp.float32) * 0.01
    lin_table = jax.random.normal(ks[2], (TOTAL, 1), dtype=jnp.float32) * 0.01
    lin_bias = jnp.zeros((1,), dtype=jnp.float32)
    W1 = jax.random.normal(ks[3], (EOD, MLP_DIMS[0]), dtype=jnp.float32) / np.sqrt(EOD)
    b1 = jnp.zeros((MLP_DIMS[0],), dtype=jnp.float32)
    g1 = jnp.ones((MLP_DIMS[0],), dtype=jnp.float32)
    be1 = jnp.zeros((MLP_DIMS[0],), dtype=jnp.float32)
    W2 = jax.random.normal(ks[4], (MLP_DIMS[0], MLP_DIMS[1]), dtype=jnp.float32) / np.sqrt(MLP_DIMS[0])
    b2 = jnp.zeros((MLP_DIMS[1],), dtype=jnp.float32)
    g2 = jnp.ones((MLP_DIMS[1],), dtype=jnp.float32)
    be2 = jnp.zeros((MLP_DIMS[1],), dtype=jnp.float32)
    W3 = jax.random.normal(ks[5], (MLP_DIMS[1], 1), dtype=jnp.float32) / np.sqrt(MLP_DIMS[1])
    b3 = jnp.zeros((1,), dtype=jnp.float32)
    return {"x": x, "emb_table": emb_table, "lin_table": lin_table, "lin_bias": lin_bias,
            "W1": W1, "b1": b1, "g1": g1, "be1": be1,
            "W2": W2, "b2": b2, "g2": g2, "be2": be2,
            "W3": W3, "b3": b3}


def _bn(h, g, b):
    m = jnp.mean(h, axis=0)
    v = jnp.var(h, axis=0)
    return g * (h - m) / jnp.sqrt(v + 1e-5) + b


def reference(x, emb_table, lin_table, lin_bias, W1, b1, g1, be1, W2, b2, g2, be2, W3, b3):
    idx = x + OFFSETS[None, :]
    # shared embedding lookup: (B, NF, EMBED_DIM)
    embed_x = jnp.take(emb_table, idx, axis=0)
    # linear part: sum of 1-dim embeddings + bias -> (B, 1)
    linear = jnp.sum(jnp.take(lin_table, idx, axis=0), axis=1) + lin_bias
    # FM second-order interaction, reduce_sum=True -> (B, 1)
    sum_sq = jnp.square(jnp.sum(embed_x, axis=1))
    sq_sum = jnp.sum(jnp.square(embed_x), axis=1)
    fm = 0.5 * jnp.sum(sum_sq - sq_sum, axis=1, keepdims=True)
    # MLP on flattened embeddings (dropout is identity in eval)
    h = embed_x.reshape(-1, EOD)
    h = jnp.maximum(_bn(h @ W1 + b1, g1, be1), 0.0)
    h = jnp.maximum(_bn(h @ W2 + b2, g2, be2), 0.0)
    mlp_out = h @ W3 + b3
    out = linear + fm + mlp_out
    return jax.nn.sigmoid(jnp.squeeze(out, axis=1))

if __name__ == "__main__":
    import jax
    _d = setup_inputs()
    print(jax.jit(kernel)(*tuple(_d.values())))

</pallas_src>

<mosaic_0001>
#map = affine_map<(d0, d1) -> (0, 0)>
#map1 = affine_map<(d0, d1) -> (0)>
module attributes {stable_mosaic.version = 14 : i64} {
  func.func @_sc_gather_body(%arg0: i32, %arg1: i32, %arg2: memref<3328x128xi32, #tpu.memory_space<hbm>>, %arg3: memref<2600000x16xf32, #tpu.memory_space<hbm>>, %arg4: memref<2600000xf32, #tpu.memory_space<hbm>>, %arg5: memref<425984x16xf32, #tpu.memory_space<hbm>>, %arg6: memref<425984xf32, #tpu.memory_space<hbm>>, %arg7: memref<104x128xi32, #tpu.memory_space<vmem>>, %arg8: memref<1024x16xf32, #tpu.memory_space<vmem>>, %arg9: memref<1024xf32, #tpu.memory_space<vmem>>, %arg10: memref<!tpu.dma_semaphore, #tpu.memory_space<semaphore_mem>>, %arg11: memref<!tpu.dma_semaphore, #tpu.memory_space<semaphore_mem>>) attributes {dimension_semantics = [#tpu.dimension_semantics<core_parallel>, #tpu.dimension_semantics<subcore_parallel>], iteration_bounds = array<i64: 2, 16>, scalar_prefetch = 0 : i64, scratch_operands = 5 : i64, tpu.core_type = #tpu.core_type<sc_vector_subcore>, window_params = [{transform_indices = #map}, {transform_indices = #map}, {transform_indices = #map1}, {transform_indices = #map}, {transform_indices = #map1}]} {
    %mul3A = arith.constant 2 : i32
    %mul3A_0 = arith.muli %arg1, %mul3A : i32
    %add3A = arith.addi %mul3A_0, %arg0 : i32
    %mul3A_1 = arith.constant 104 : i32
    %mul3A_2 = arith.muli %add3A, %mul3A_1 : i32
    "tpu.region"() ({
      %run_scoped3A = tpu.sem_alloc : memref<!tpu.dma_semaphore, #tpu.memory_space<semaphore_mem>>
      %dma_start3A = arith.constant 0 : i32
      %dma_start3A_7 = tpu.memref_slice %arg2[%mul3A_2, %dma_start3A] : memref<3328x128xi32, #tpu.memory_space<hbm>> -> memref<104x128xi32, #tpu.memory_space<hbm>>
      %dma_start3A_8 = arith.constant 0 : i32
      %dma_start3A_9 = tpu.memref_slice %arg2[%mul3A_2, %dma_start3A_8] : memref<3328x128xi32, #tpu.memory_space<hbm>> -> memref<104x128xi32, #tpu.memory_space<hbm>>
      tpu.enqueue_dma source(%dma_start3A_9 : memref<104x128xi32, #tpu.memory_space<hbm>>) target(%arg7 : memref<104x128xi32, #tpu.memory_space<vmem>>) target_semaphore(%run_scoped3A : memref<!tpu.dma_semaphore, #tpu.memory_space<semaphore_mem>>)
      %dma_wait3A = arith.constant 0 : i32
      %dma_wait3A_10 = tpu.memref_slice %arg2[%mul3A_2, %dma_wait3A] : memref<3328x128xi32, #tpu.memory_space<hbm>> -> memref<104x128xi32, #tpu.memory_space<hbm>>
      %dma_wait3A_11 = arith.constant 0 : i32
      %dma_wait3A_12 = tpu.memref_slice %arg2[%mul3A_2, %dma_wait3A_11] : memref<3328x128xi32, #tpu.memory_space<hbm>> -> memref<104x128xi32, #tpu.memory_space<hbm>>
      tpu.wait_dma2 semaphore(%run_scoped3A : memref<!tpu.dma_semaphore, #tpu.memory_space<semaphore_mem>>) src(%dma_wait3A_12 : memref<104x128xi32, #tpu.memory_space<hbm>>) dst(%arg7 : memref<104x128xi32, #tpu.memory_space<vmem>>)
      tpu.yield
    }) : () -> ()
    %scan3A = arith.constant 0 : i32
    %scan3A_3 = arith.constant 13 : i32
    %scan3A_4 = arith.addi %scan3A, %scan3A_3 : i32
    %scan3A_5 = arith.constant 1 : i32
    scf.for %scan3A_7 = %scan3A to %scan3A_4 step %scan3A_5  : i32 {
      %mul3A_8 = arith.constant 1 : i32
      %mul3A_9 = arith.muli %scan3A_7, %mul3A_8 : i32
      %add3A_10 = arith.constant 0 : i32
      %add3A_11 = arith.addi %add3A_10, %mul3A_9 : i32
      %mul3A_12 = arith.constant 8 : i32
      %mul3A_13 = arith.muli %add3A_11, %mul3A_12 : i32
      %add3A_14 = arith.constant 0 : i32
      %add3A_15 = arith.addi %mul3A_13, %add3A_14 : i32
      %dma_start3A = arith.constant 0 : i32
      %dma_start3A_16 = arith.constant 0 : i32
      %dma_start3A_17 = tpu.memref_slice %arg8[%dma_start3A, %dma_start3A_16] : memref<1024x16xf32, #tpu.memory_space<vmem>> -> memref<128x16xf32, #tpu.memory_space<vmem>>
      %dma_start3A_18 = arith.constant 0 : i32
      %dma_start3A_19 = tpu.memref_slice %arg7[%add3A_15, %dma_start3A_18] : memref<104x128xi32, #tpu.memory_space<vmem>> -> memref<1x128xi32, #tpu.memory_space<vmem>>
      %dma_start3A_20 = tpu.memref_squeeze %dma_start3A_19 : memref<1x128xi32, #tpu.memory_space<vmem>> -> memref<128xi32, #tpu.memory_space<vmem>>
      %dma_start3A_21 = arith.constant 0 : i32
      %dma_start3A_22 = arith.constant 0 : i32
      %dma_start3A_23 = tpu.memref_slice %arg3[%dma_start3A_21, %dma_start3A_22] : memref<2600000x16xf32, #tpu.memory_space<hbm>> -> memref<2600000x16xf32, #tpu.memory_space<hbm>>
      tpu.enqueue_indirect_dma source(%dma_start3A_23 : memref<2600000x16xf32, #tpu.memory_space<hbm>>) target(%dma_start3A_17 : memref<128x16xf32, #tpu.memory_space<vmem>>) offsets(%dma_start3A_20 : memref<128xi32, #tpu.memory_space<vmem>>) semaphore(%arg10 : memref<!tpu.dma_semaphore, #tpu.memory_space<semaphore_mem>>)
      %dma_start3A_24 = arith.constant 0 : i32
      %dma_start3A_25 = tpu.memref_slice %arg9[%dma_start3A_24] : memref<1024xf32, #tpu.memory_space<vmem>> -> memref<128xf32, #tpu.memory_space<vmem>>
      %dma_start3A_26 = arith.constant 0 : i32
      %dma_start3A_27 = tpu.memref_slice %arg7[%add3A_15, %dma_start3A_26] : memref<104x128xi32, #tpu.memory_space<vmem>> -> memref<1x128xi32, #tpu.memory_space<vmem>>
      %dma_start3A_28 = tpu.memref_squeeze %dma_start3A_27 : memref<1x128xi32, #tpu.memory_space<vmem>> -> memref<128xi32, #tpu.memory_space<vmem>>
      %dma_start3A_29 = arith.constant 0 : i32
      %dma_start3A_30 = tpu.memref_slice %arg4[%dma_start3A_29] : memref<2600000xf32, #tpu.memory_space<hbm>> -> memref<2600000xf32, #tpu.memory_space<hbm>>
      tpu.enqueue_indirect_dma source(%dma_start3A_30 : memref<2600000xf32, #tpu.memory_space<hbm>>) target(%dma_start3A_25 : memref<128xf32, #tpu.memory_space<vmem>>) offsets(%dma_start3A_28 : memref<128xi32, #tpu.memory_space<vmem>>) semaphore(%arg11 : memref<!tpu.dma_semaphore, #tpu.memory_space<semaphore_mem>>)
      %add3A_31 = arith.constant 1 : i32
      %add3A_32 = arith.addi %mul3A_13, %add3A_31 : i32
      %dma_start3A_33 = arith.constant 128 : i32
      %dma_start3A_34 = arith.constant 0 : i32
      %dma_start3A_35 = tpu.memref_slice %arg8[%dma_start3A_33, %dma_start3A_34] : memref<1024x16xf32, #tpu.memory_space<vmem>> -> memref<128x16xf32, #tpu.memory_space<vmem>>
      %dma_start3A_36 = arith.constant 0 : i32
      %dma_start3A_37 = tpu.memref_slice %arg7[%add3A_32, %dma_start3A_36] : memref<104x128xi32, #tpu.memory_space<vmem>> -> memref<1x128xi32, #tpu.memory_space<vmem>>
      %dma_start3A_38 = tpu.memref_squeeze %dma_start3A_37 : memref<1x128xi32, #tpu.memory_space<vmem>> -> memref<128xi32, #tpu.memory_space<vmem>>
      %dma_start3A_39 = arith.constant 0 : i32
      %dma_start3A_40 = arith.constant 0 : i32
      %dma_start3A_41 = tpu.memref_slice %arg3[%dma_start3A_39, %dma_start3A_40] : memref<2600000x16xf32, #tpu.memory_space<hbm>> -> memref<2600000x16xf32, #tpu.memory_space<hbm>>
      tpu.enqueue_indirect_dma source(%dma_start3A_41 : memref<2600000x16xf32, #tpu.memory_space<hbm>>) target(%dma_start3A_35 : memref<128x16xf32, #tpu.memory_space<vmem>>) offsets(%dma_start3A_38 : memref<128xi32, #tpu.memory_space<vmem>>) semaphore(%arg10 : memref<!tpu.dma_semaphore, #tpu.memory_space<semaphore_mem>>)
      %dma_start3A_42 = arith.constant 128 : i32
      %dma_start3A_43 = tpu.memref_slice %arg9[%dma_start3A_42] : memref<1024xf32, #tpu.memory_space<vmem>> -> memref<128xf32, #tpu.memory_space<vmem>>
      %dma_start3A_44 = arith.constant 0 : i32
      %dma_start3A_45 = tpu.memref_slice %arg7[%add3A_32, %dma_start3A_44] : memref<104x128xi32, #tpu.memory_space<vmem>> -> memref<1x128xi32, #tpu.memory_space<vmem>>
      %dma_start3A_46 = tpu.memref_squeeze %dma_start3A_45 : memref<1x128xi32, #tpu.memory_space<vmem>> -> memref<128xi32, #tpu.memory_space<vmem>>
      %dma_start3A_47 = arith.constant 0 : i32
      %dma_start3A_48 = tpu.memref_slice %arg4[%dma_start3A_47] : memref<2600000xf32, #tpu.memory_space<hbm>> -> memref<2600000xf32, #tpu.memory_space<hbm>>
      tpu.enqueue_indirect_dma source(%dma_start3A_48 : memref<2600000xf32, #tpu.memory_space<hbm>>) target(%dma_start3A_43 : memref<128xf32, #tpu.memory_space<vmem>>) offsets(%dma_start3A_46 : memref<128xi32, #tpu.memory_space<vmem>>) semaphore(%arg11 : memref<!tpu.dma_semaphore, #tpu.memory_space<semaphore_mem>>)
      %add3A_49 = arith.constant 2 : i32
      %add3A_50 = arith.addi %mul3A_13, %add3A_49 : i32
      %dma_start3A_51 = arith.constant 256 : i32
      %dma_start3A_52 = arith.constant 0 : i32
      %dma_start3A_53 = tpu.memref_slice %arg8[%dma_start3A_51, %dma_start3A_52] : memref<1024x16xf32, #tpu.memory_space<vmem>> -> memref<128x16xf32, #tpu.memory_space<vmem>>
      %dma_start3A_54 = arith.constant 0 : i32
      %dma_start3A_55 = tpu.memref_slice %arg7[%add3A_50, %dma_start3A_54] : memref<104x128xi32, #tpu.memory_space<vmem>> -> memref<1x128xi32, #tpu.memory_space<vmem>>
      %dma_start3A_56 = tpu.memref_squeeze %dma_start3A_55 : memref<1x128xi32, #tpu.memory_space<vmem>> -> memref<128xi32, #tpu.memory_space<vmem>>
      %dma_start3A_57 = arith.constant 0 : i32
      %dma_start3A_58 = arith.constant 0 : i32
      %dma_start3A_59 = tpu.memref_slice %arg3[%dma_start3A_57, %dma_start3A_58] : memref<2600000x16xf32, #tpu.memory_space<hbm>> -> memref<2600000x16xf32, #tpu.memory_space<hbm>>
      tpu.enqueue_indirect_dma source(%dma_start3A_59 : memref<2600000x16xf32, #tpu.memory_space<hbm>>) target(%dma_start3A_53 : memref<128x16xf32, #tpu.memory_space<vmem>>) offsets(%dma_start3A_56 : memref<128xi32, #tpu.memory_space<vmem>>) semaphore(%arg10 : memref<!tpu.dma_semaphore, #tpu.memory_space<semaphore_mem>>)
      %dma_start3A_60 = arith.constant 256 : i32
      %dma_start3A_61 = tpu.memref_slice %arg9[%dma_start3A_60] : memref<1024xf32, #tpu.memory_space<vmem>> -> memref<128xf32, #tpu.memory_space<vmem>>
      %dma_start3A_62 = arith.constant 0 : i32
      %dma_start3A_63 = tpu.memref_slice %arg7[%add3A_50, %dma_start3A_62] : memref<104x128xi32, #tpu.memory_space<vmem>> -> memref<1x128xi32, #tpu.memory_space<vmem>>
      %dma_start3A_64 = tpu.memref_squeeze %dma_start3A_63 : memref<1x128xi32, #tpu.memory_space<vmem>> -> memref<128xi32, #tpu.memory_space<vmem>>
      %dma_start3A_65 = arith.constant 0 : i32
      %dma_start3A_66 = tpu.memref_slice %arg4[%dma_start3A_65] : memref<2600000xf32, #tpu.memory_space<hbm>> -> memref<2600000xf32, #tpu.memory_space<hbm>>
      tpu.enqueue_indirect_dma source(%dma_start3A_66 : memref<2600000xf32, #tpu.memory_space<hbm>>) target(%dma_start3A_61 : memref<128xf32, #tpu.memory_space<vmem>>) offsets(%dma_start3A_64 : memref<128xi32, #tpu.memory_space<vmem>>) semaphore(%arg11 : memref<!tpu.dma_semaphore, #tpu.memory_space<semaphore_mem>>)
      %add3A_67 = arith.constant 3 : i32
      %add3A_68 = arith.addi %mul3A_13, %add3A_67 : i32
      %dma_start3A_69 = arith.constant 384 : i32
      %dma_start3A_70 = arith.constant 0 : i32
      %dma_start3A_71 = tpu.memref_slice %arg8[%dma_start3A_69, %dma_start3A_70] : memref<1024x16xf32, #tpu.memory_space<vmem>> -> memref<128x16xf32, #tpu.memory_space<vmem>>
      %dma_start3A_72 = arith.constant 0 : i32
      %dma_start3A_73 = tpu.memref_slice %arg7[%add3A_68, %dma_start3A_72] : memref<104x128xi32, #tpu.memory_space<vmem>> -> memref<1x128xi32, #tpu.memory_space<vmem>>
      %dma_start3A_74 = tpu.memref_squeeze %dma_start3A_73 : memref<1x128xi32, #tpu.memory_space<vmem>> -> memref<128xi32, #tpu.memory_space<vmem>>
      %dma_start3A_75 = arith.constant 0 : i32
      %dma_start3A_76 = arith.constant 0 : i32
      %dma_start3A_77 = tpu.memref_slice %arg3[%dma_start3A_75, %dma_start3A_76] : memref<2600000x16xf32, #tpu.memory_space<hbm>> -> memref<2600000x16xf32, #tpu.memory_space<hbm>>
      tpu.enqueue_indirect_dma source(%dma_start3A_77 : memref<2600000x16xf32, #tpu.memory_space<hbm>>) target(%dma_start3A_71 : memref<128x16xf32, #tpu.memory_space<vmem>>) offsets(%dma_start3A_74 : memref<128xi32, #tpu.memory_space<vmem>>) semaphore(%arg10 : memref<!tpu.dma_semaphore, #tpu.memory_space<semaphore_mem>>)
      %dma_start3A_78 = arith.constant 384 : i32
      %dma_start3A_79 = tpu.memref_slice %arg9[%dma_start3A_78] : memref<1024xf32, #tpu.memory_space<vmem>> -> memref<128xf32, #tpu.memory_space<vmem>>
      %dma_start3A_80 = arith.constant 0 : i32
      %dma_start3A_81 = tpu.memref_slice %arg7[%add3A_68, %dma_start3A_80] : memref<104x128xi32, #tpu.memory_space<vmem>> -> memref<1x128xi32, #tpu.memory_space<vmem>>
      %dma_start3A_82 = tpu.memref_squeeze %dma_start3A_81 : memref<1x128xi32, #tpu.memory_space<vmem>> -> memref<128xi32, #tpu.memory_space<vmem>>
      %dma_start3A_83 = arith.constant 0 : i32
      %dma_start3A_84 = tpu.memref_slice %arg4[%dma_start3A_83] : memref<2600000xf32, #tpu.memory_space<hbm>> -> memref<2600000xf32, #tpu.memory_space<hbm>>
      tpu.enqueue_indirect_dma source(%dma_start3A_84 : memref<2600000xf32, #tpu.memory_space<hbm>>) target(%dma_start3A_79 : memref<128xf32, #tpu.memory_space<vmem>>) offsets(%dma_start3A_82 : memref<128xi32, #tpu.memory_space<vmem>>) semaphore(%arg11 : memref<!tpu.dma_semaphore, #tpu.memory_space<semaphore_mem>>)
      %add3A_85 = arith.constant 4 : i32
      %add3A_86 = arith.addi %mul3A_13, %add3A_85 : i32
      %dma_start3A_87 = arith.constant 512 : i32
      %dma_start3A_88 = arith.constant 0 : i32
      %dma_start3A_89 = tpu.memref_slice %arg8[%dma_start3A_87, %dma_start3A_88] : memref<1024x16xf32, #tpu.memory_space<vmem>> -> memref<128x16xf32, #tpu.memory_space<vmem>>
      %dma_start3A_90 = arith.constant 0 : i32
      %dma_start3A_91 = tpu.memref_slice %arg7[%add3A_86, %dma_start3A_90] : memref<104x128xi32, #tpu.memory_space<vmem>> -> memref<1x128xi32, #tpu.memory_space<vmem>>
      %dma_start3A_92 = tpu.memref_squeeze %dma_start3A_91 : memref<1x128xi32, #tpu.memory_space<vmem>> -> memref<128xi32, #tpu.memory_space<vmem>>
      %dma_start3A_93 = arith.constant 0 : i32
      %dma_start3A_94 = arith.constant 0 : i32
      %dma_start3A_95 = tpu.memref_slice %arg3[%dma_start3A_93, %dma_start3A_94] : memref<2600000x16xf32, #tpu.memory_space<hbm>> -> memref<2600000x16xf32, #tpu.memory_space<hbm>>
      tpu.enqueue_indirect_dma source(%dma_start3A_95 : memref<2600000x16xf32, #tpu.memory_space<hbm>>) target(%dma_start3A_89 : memref<128x16xf32, #tpu.memory_space<vmem>>) offsets(%dma_start3A_92 : memref<128xi32, #tpu.memory_space<vmem>>) semaphore(%arg10 : memref<!tpu.dma_semaphore, #tpu.memory_space<semaphore_mem>>)
      %dma_start3A_96 = arith.constant 512 : i32
      %dma_start3A_97 = tpu.memref_slice %arg9[%dma_start3A_96] : memref<1024xf32, #tpu.memory_space<vmem>> -> memref<128xf32, #tpu.memory_space<vmem>>
      %dma_start3A_98 = arith.constant 0 : i32
      %dma_start3A_99 = tpu.memref_slice %arg7[%add3A_86, %dma_start3A_98] : memref<104x128xi32, #tpu.memory_space<vmem>> -> memref<1x128xi32, #tpu.memory_space<vmem>>
      %dma_start3A_100 = tpu.memref_squeeze %dma_start3A_99 : memref<1x128xi32, #tpu.memory_space<vmem>> -> memref<128xi32, #tpu.memory_space<vmem>>
      %dma_start3A_101 = arith.constant 0 : i32
      %dma_start3A_102 = tpu.memref_slice %arg4[%dma_start3A_101] : memref<2600000xf32, #tpu.memory_space<hbm>> -> memref<2600000xf32, #tpu.memory_space<hbm>>
      tpu.enqueue_indirect_dma source(%dma_start3A_102 : memref<2600000xf32, #tpu.memory_space<hbm>>) target(%dma_start3A_97 : memref<128xf32, #tpu.memory_space<vmem>>) offsets(%dma_start3A_100 : memref<128xi32, #tpu.memory_space<vmem>>) semaphore(%arg11 : memref<!tpu.dma_semaphore, #tpu.memory_space<semaphore_mem>>)
      %add3A_103 = arith.constant 5 : i32
      %add3A_104 = arith.addi %mul3A_13, %add3A_103 : i32
      %dma_start3A_105 = arith.constant 640 : i32
      %dma_start3A_106 = arith.constant 0 : i32
      %dma_start3A_107 = tpu.memref_slice %arg8[%dma_start3A_105, %dma_start3A_106] : memref<1024x16xf32, #tpu.memory_space<vmem>> -> memref<128x16xf32, #tpu.memory_space<vmem>>
      %dma_start3A_108 = arith.constant 0 : i32
      %dma_start3A_109 = tpu.memref_slice %arg7[%add3A_104, %dma_start3A_108] : memref<104x128xi32, #tpu.memory_space<vmem>> -> memref<1x128xi32, #tpu.memory_space<vmem>>
      %dma_start3A_110 = tpu.memref_squeeze %dma_start3A_109 : memref<1x128xi32, #tpu.memory_space<vmem>> -> memref<128xi32, #tpu.memory_space<vmem>>
      %dma_start3A_111 = arith.constant 0 : i32
      %dma_start3A_112 = arith.constant 0 : i32
      %dma_start3A_113 = tpu.memref_slice %arg3[%dma_start3A_111, %dma_start3A_112] : memref<2600000x16xf32, #tpu.memory_space<hbm>> -> memref<2600000x16xf32, #tpu.memory_space<hbm>>
      tpu.enqueue_indirect_dma source(%dma_start3A_113 : memref<2600000x16xf32, #tpu.memory_space<hbm>>) target(%dma_start3A_107 : memref<128x16xf32, #tpu.memory_space<vmem>>) offsets(%dma_start3A_110 : memref<128xi32, #tpu.memory_space<vmem>>) semaphore(%arg10 : memref<!tpu.dma_semaphore, #tpu.memory_space<semaphore_mem>>)
      %dma_start3A_114 = arith.constant 640 : i32
      %dma_start3A_115 = tpu.memref_slice %arg9[%dma_start3A_114] : memref<1024xf32, #tpu.memory_space<vmem>> -> memref<128xf32, #tpu.memory_space<vmem>>
      %dma_start3A_116 = arith.constant 0 : i32
      %dma_start3A_117 = tpu.memref_slice %arg7[%add3A_104, %dma_start3A_116] : memref<104x128xi32, #tpu.memory_space<vmem>> -> memref<1x128xi32, #tpu.memory_space<vmem>>
      %dma_start3A_118 = tpu.memref_squeeze %dma_start3A_117 : memref<1x128xi32, #tpu.memory_space<vmem>> -> memref<128xi32, #tpu.memory_space<vmem>>
      %dma_start3A_119 = arith.constant 0 : i32
      %dma_start3A_120 = tpu.memref_slice %arg4[%dma_start3A_119] : memref<2600000xf32, #tpu.memory_space<hbm>> -> memref<2600000xf32, #tpu.memory_space<hbm>>
      tpu.enqueue_indirect_dma source(%dma_start3A_120 : memref<2600000xf32, #tpu.memory_space<hbm>>) target(%dma_start3A_115 : memref<128xf32, #tpu.memory_space<vmem>>) offsets(%dma_start3A_118 : memref<128xi32, #tpu.memory_space<vmem>>) semaphore(%arg11 : memref<!tpu.dma_semaphore, #tpu.memory_space<semaphore_mem>>)
      %add3A_121 = arith.constant 6 : i32
      %add3A_122 = arith.addi %mul3A_13, %add3A_121 : i32
      %dma_start3A_123 = arith.constant 768 : i32
      %dma_start3A_124 = arith.constant 0 : i32
      %dma_start3A_125 = tpu.memref_slice %arg8[%dma_start3A_123, %dma_start3A_124] : memref<1024x16xf32, #tpu.memory_space<vmem>> -> memref<128x16xf32, #tpu.memory_space<vmem>>
      %dma_start3A_126 = arith.constant 0 : i32
      %dma_start3A_127 = tpu.memref_slice %arg7[%add3A_122, %dma_start3A_126] : memref<104x128xi32, #tpu.memory_space<vmem>> -> memref<1x128xi32, #tpu.memory_space<vmem>>
      %dma_start3A_128 = tpu.memref_squeeze %dma_start3A_127 : memref<1x128xi32, #tpu.memory_space<vmem>> -> memref<128xi32, #tpu.memory_space<vmem>>
      %dma_start3A_129 = arith.constant 0 : i32
      %dma_start3A_130 = arith.constant 0 : i32
      %dma_start3A_131 = tpu.memref_slice %arg3[%dma_start3A_129, %dma_start3A_130] : memref<2600000x16xf32, #tpu.memory_space<hbm>> -> memref<2600000x16xf32, #tpu.memory_space<hbm>>
      tpu.enqueue_indirect_dma source(%dma_start3A_131 : memref<2600000x16xf32, #tpu.memory_space<hbm>>) target(%dma_start3A_125 : memref<128x16xf32, #tpu.memory_space<vmem>>) offsets(%dma_start3A_128 : memref<128xi32, #tpu.memory_space<vmem>>) semaphore(%arg10 : memref<!tpu.dma_semaphore, #tpu.memory_space<semaphore_mem>>)
      %dma_start3A_132 = arith.constant 768 : i32
      %dma_start3A_133 = tpu.memref_slice %arg9[%dma_start3A_132] : memref<1024xf32, #tpu.memory_space<vmem>> -> memref<128xf32, #tpu.memory_space<vmem>>
      %dma_start3A_134 = arith.constant 0 : i32
      %dma_start3A_135 = tpu.memref_slice %arg7[%add3A_122, %dma_start3A_134] : memref<104x128xi32, #tpu.memory_space<vmem>> -> memref<1x128xi32, #tpu.memory_space<vmem>>
      %dma_start3A_136 = tpu.memref_squeeze %dma_start3A_135 : memref<1x128xi32, #tpu.memory_space<vmem>> -> memref<128xi32, #tpu.memory_space<vmem>>
      %dma_start3A_137 = arith.constant 0 : i32
      %dma_start3A_138 = tpu.memref_slice %arg4[%dma_start3A_137] : memref<2600000xf32, #tpu.memory_space<hbm>> -> memref<2600000xf32, #tpu.memory_space<hbm>>
      tpu.enqueue_indirect_dma source(%dma_start3A_138 : memref<2600000xf32, #tpu.memory_space<hbm>>) target(%dma_start3A_133 : memref<128xf32, #tpu.memory_space<vmem>>) offsets(%dma_start3A_136 : memref<128xi32, #tpu.memory_space<vmem>>) semaphore(%arg11 : memref<!tpu.dma_semaphore, #tpu.memory_space<semaphore_mem>>)
      %add3A_139 = arith.constant 7 : i32
      %add3A_140 = arith.addi %mul3A_13, %add3A_139 : i32
      %dma_start3A_141 = arith.constant 896 : i32
      %dma_start3A_142 = arith.constant 0 : i32
      %dma_start3A_143 = tpu.memref_slice %arg8[%dma_start3A_141, %dma_start3A_142] : memref<1024x16xf32, #tpu.memory_space<vmem>> -> memref<128x16xf32, #tpu.memory_space<vmem>>
      %dma_start3A_144 = arith.constant 0 : i32
      %dma_start3A_145 = tpu.memref_slice %arg7[%add3A_140, %dma_start3A_144] : memref<104x128xi32, #tpu.memory_space<vmem>> -> memref<1x128xi32, #tpu.memory_space<vmem>>
      %dma_start3A_146 = tpu.memref_squeeze %dma_start3A_145 : memref<1x128xi32, #tpu.memory_space<vmem>> -> memref<128xi32, #tpu.memory_space<vmem>>
      %dma_start3A_147 = arith.constant 0 : i32
      %dma_start3A_148 = arith.constant 0 : i32
      %dma_start3A_149 = tpu.memref_slice %arg3[%dma_start3A_147, %dma_start3A_148] : memref<2600000x16xf32, #tpu.memory_space<hbm>> -> memref<2600000x16xf32, #tpu.memory_space<hbm>>
      tpu.enqueue_indirect_dma source(%dma_start3A_149 : memref<2600000x16xf32, #tpu.memory_space<hbm>>) target(%dma_start3A_143 : memref<128x16xf32, #tpu.memory_space<vmem>>) offsets(%dma_start3A_146 : memref<128xi32, #tpu.memory_space<vmem>>) semaphore(%arg10 : memref<!tpu.dma_semaphore, #tpu.memory_space<semaphore_mem>>)
      %dma_start3A_150 = arith.constant 896 : i32
      %dma_start3A_151 = tpu.memref_slice %arg9[%dma_start3A_150] : memref<1024xf32, #tpu.memory_space<vmem>> -> memref<128xf32, #tpu.memory_space<vmem>>
      %dma_start3A_152 = arith.constant 0 : i32
      %dma_start3A_153 = tpu.memref_slice %arg7[%add3A_140, %dma_start3A_152] : memref<104x128xi32, #tpu.memory_space<vmem>> -> memref<1x128xi32, #tpu.memory_space<vmem>>
      %dma_start3A_154 = tpu.memref_squeeze %dma_start3A_153 : memref<1x128xi32, #tpu.memory_space<vmem>> -> memref<128xi32, #tpu.memory_space<vmem>>
      %dma_start3A_155 = arith.constant 0 : i32
      %dma_start3A_156 = tpu.memref_slice %arg4[%dma_start3A_155] : memref<2600000xf32, #tpu.memory_space<hbm>> -> memref<2600000xf32, #tpu.memory_space<hbm>>
      tpu.enqueue_indirect_dma source(%dma_start3A_156 : memref<2600000xf32, #tpu.memory_space<hbm>>) target(%dma_start3A_151 : memref<128xf32, #tpu.memory_space<vmem>>) offsets(%dma_start3A_154 : memref<128xi32, #tpu.memory_space<vmem>>) semaphore(%arg11 : memref<!tpu.dma_semaphore, #tpu.memory_space<semaphore_mem>>)
      %dma_wait3A = arith.constant 0 : i32
      %dma_wait3A_157 = arith.constant 0 : i32
      %dma_wait3A_158 = tpu.memref_slice %arg8[%dma_wait3A, %dma_wait3A_157] : memref<1024x16xf32, #tpu.memory_space<vmem>> -> memref<128x16xf32, #tpu.memory_space<vmem>>
      %dma_wait3A_159 = arith.constant 0 : i32
      %dma_wait3A_160 = tpu.memref_slice %arg7[%add3A_15, %dma_wait3A_159] : memref<104x128xi32, #tpu.memory_space<vmem>> -> memref<1x128xi32, #tpu.memory_space<vmem>>
      %dma_wait3A_161 = tpu.memref_squeeze %dma_wait3A_160 : memref<1x128xi32, #tpu.memory_space<vmem>> -> memref<128xi32, #tpu.memory_space<vmem>>
      %dma_wait3A_162 = arith.constant 0 : i32
      %dma_wait3A_163 = arith.constant 0 : i32
      %dma_wait3A_164 = tpu.memref_slice %arg3[%dma_wait3A_162, %dma_wait3A_163] : memref<2600000x16xf32, #tpu.memory_space<hbm>> -> memref<2600000x16xf32, #tpu.memory_space<hbm>>
      tpu.wait_indirect_dma semaphore(%arg10 : memref<!tpu.dma_semaphore, #tpu.memory_space<semaphore_mem>>) src(%dma_wait3A_164 : memref<2600000x16xf32, #tpu.memory_space<hbm>>) dst(%dma_wait3A_158 : memref<128x16xf32, #tpu.memory_space<vmem>>)
      %dma_wait3A_165 = arith.constant 0 : i32
      %dma_wait3A_166 = tpu.memref_slice %arg9[%dma_wait3A_165] : memref<1024xf32, #tpu.memory_space<vmem>> -> memref<128xf32, #tpu.memory_space<vmem>>
      %dma_wait3A_167 = arith.constant 0 : i32
      %dma_wait3A_168 = tpu.memref_slice %arg7[%add3A_15, %dma_wait3A_167] : memref<104x128xi32, #tpu.memory_space<vmem>> -> memref<1x128xi32, #tpu.memory_space<vmem>>
      %dma_wait3A_169 = tpu.memref_squeeze %dma_wait3A_168 : memref<1x128xi32, #tpu.memory_space<vmem>> -> memref<128xi32, #tpu.memory_space<vmem>>
      %dma_wait3A_170 = arith.constant 0 : i32
      %dma_wait3A_171 = tpu.memref_slice %arg4[%dma_wait3A_170] : memref<2600000xf32, #tpu.memory_space<hbm>> -> memref<2600000xf32, #tpu.memory_space<hbm>>
      tpu.wait_indirect_dma semaphore(%arg11 : memref<!tpu.dma_semaphore, #tpu.memory_space<semaphore_mem>>) src(%dma_wait3A_171 : memref<2600000xf32, #tpu.memory_space<hbm>>) dst(%dma_wait3A_166 : memref<128xf32, #tpu.memory_space<vmem>>)
      %dma_wait3A_172 = arith.constant 128 : i32
      %dma_wait3A_173 = arith.constant 0 : i32
      %dma_wait3A_174 = tpu.memref_slice %arg8[%dma_wait3A_172, %dma_wait3A_173] : memref<1024x16xf32, #tpu.memory_space<vmem>> -> memref<128x16xf32, #tpu.memory_space<vmem>>
      %dma_wait3A_175 = arith.constant 0 : i32
      %dma_wait3A_176 = tpu.memref_slice %arg7[%add3A_32, %dma_wait3A_175] : memref<104x128xi32, #tpu.memory_space<vmem>> -> memref<1x128xi32, #tpu.memory_space<vmem>>
      %dma_wait3A_177 = tpu.memref_squeeze %dma_wait3A_176 : memref<1x128xi32, #tpu.memory_space<vmem>> -> memref<128xi32, #tpu.memory_space<vmem>>
      %dma_wait3A_178 = arith.constant 0 : i32
      %dma_wait3A_179 = arith.constant 0 : i32
      %dma_wait3A_180 = tpu.memref_slice %arg3[%dma_wait3A_178, %dma_wait3A_179] : memref<2600000x16xf32, #tpu.memory_space<hbm>> -> memref<2600000x16xf32, #tpu.memory_space<hbm>>
      tpu.wait_indirect_dma semaphore(%arg10 : memref<!tpu.dma_semaphore, #tpu.memory_space<semaphore_mem>>) src(%dma_wait3A_180 : memref<2600000x16xf32, #tpu.memory_space<hbm>>) dst(%dma_wait3A_174 : memref<128x16xf32, #tpu.memory_space<vmem>>)
      %dma_wait3A_181 = arith.constant 128 : i32
      %dma_wait3A_182 = tpu.memref_slice %arg9[%dma_wait3A_181] : memref<1024xf32, #tpu.memory_space<vmem>> -> memref<128xf32, #tpu.memory_space<vmem>>
      %dma_wait3A_183 = arith.constant 0 : i32
      %dma_wait3A_184 = tpu.memref_slice %arg7[%add3A_32, %dma_wait3A_183] : memref<104x128xi32, #tpu.memory_space<vmem>> -> memref<1x128xi32, #tpu.memory_space<vmem>>
      %dma_wait3A_185 = tpu.memref_squeeze %dma_wait3A_184 : memref<1x128xi32, #tpu.memory_space<vmem>> -> memref<128xi32, #tpu.memory_space<vmem>>
      %dma_wait3A_186 = arith.constant 0 : i32
      %dma_wait3A_187 = tpu.memref_slice %arg4[%dma_wait3A_186] : memref<2600000xf32, #tpu.memory_space<hbm>> -> memref<2600000xf32, #tpu.memory_space<hbm>>
      tpu.wait_indirect_dma semaphore(%arg11 : memref<!tpu.dma_semaphore, #tpu.memory_space<semaphore_mem>>) src(%dma_wait3A_187 : memref<2600000xf32, #tpu.memory_space<hbm>>) dst(%dma_wait3A_182 : memref<128xf32, #tpu.memory_space<vmem>>)
      %dma_wait3A_188 = arith.constant 256 : i32
      %dma_wait3A_189 = arith.constant 0 : i32
      %dma_wait3A_190 = tpu.memref_slice %arg8[%dma_wait3A_188, %dma_wait3A_189] : memref<1024x16xf32, #tpu.memory_space<vmem>> -> memref<128x16xf32, #tpu.memory_space<vmem>>
      %dma_wait3A_191 = arith.constant 0 : i32
      %dma_wait3A_192 = tpu.memref_slice %arg7[%add3A_50, %dma_wait3A_191] : memref<104x128xi32, #tpu.memory_space<vmem>> -> memref<1x128xi32, #tpu.memory_space<vmem>>
      %dma_wait3A_193 = tpu.memref_squeeze %dma_wait3A_192 : memref<1x128xi32, #tpu.memory_space<vmem>> -> memref<128xi32, #tpu.memory_space<vmem>>
      %dma_wait3A_194 = arith.constant 0 : i32
      %dma_wait3A_195 = arith.constant 0 : i32
      %dma_wait3A_196 = tpu.memref_slice %arg3[%dma_wait3A_194, %dma_wait3A_195] : memref<2600000x16xf32, #tpu.memory_space<hbm>> -> memref<2600000x16xf32, #tpu.memory_space<hbm>>
      tpu.wait_indirect_dma semaphore(%arg10 : memref<!tpu.dma_semaphore, #tpu.memory_space<semaphore_mem>>) src(%dma_wait3A_196 : memref<2600000x16xf32, #tpu.memory_space<hbm>>) dst(%dma_wait3A_190 : memref<128x16xf32, #tpu.memory_space<vmem>>)
      %dma_wait3A_197 = arith.constant 256 : i32
      %dma_wait3A_198 = tpu.memref_slice %arg9[%dma_wait3A_197] : memref<1024xf32, #tpu.memory_space<vmem>> -> memref<128xf32, #tpu.memory_space<vmem>>
      %dma_wait3A_199 = arith.constant 0 : i32
      %dma_wait3A_200 = tpu.memref_slice %arg7[%add3A_50, %dma_wait3A_199] : memref<104x128xi32, #tpu.memory_space<vmem>> -> memref<1x128xi32, #tpu.memory_space<vmem>>
      %dma_wait3A_201 = tpu.memref_squeeze %dma_wait3A_200 : memref<1x128xi32, #tpu.memory_space<vmem>> -> memref<128xi32, #tpu.memory_space<vmem>>
      %dma_wait3A_202 = arith.constant 0 : i32
      %dma_wait3A_203 = tpu.memref_slice %arg4[%dma_wait3A_202] : memref<2600000xf32, #tpu.memory_space<hbm>> -> memref<2600000xf32, #tpu.memory_space<hbm>>
      tpu.wait_indirect_dma semaphore(%arg11 : memref<!tpu.dma_semaphore, #tpu.memory_space<semaphore_mem>>) src(%dma_wait3A_203 : memref<2600000xf32, #tpu.memory_space<hbm>>) dst(%dma_wait3A_198 : memref<128xf32, #tpu.memory_space<vmem>>)
      %dma_wait3A_204 = arith.constant 384 : i32
      %dma_wait3A_205 = arith.constant 0 : i32
      %dma_wait3A_206 = tpu.memref_slice %arg8[%dma_wait3A_204, %dma_wait3A_205] : memref<1024x16xf32, #tpu.memory_space<vmem>> -> memref<128x16xf32, #tpu.memory_space<vmem>>
      %dma_wait3A_207 = arith.constant 0 : i32
      %dma_wait3A_208 = tpu.memref_slice %arg7[%add3A_68, %dma_wait3A_207] : memref<104x128xi32, #tpu.memory_space<vmem>> -> memref<1x128xi32, #tpu.memory_space<vmem>>
      %dma_wait3A_209 = tpu.memref_squeeze %dma_wait3A_208 : memref<1x128xi32, #tpu.memory_space<vmem>> -> memref<128xi32, #tpu.memory_space<vmem>>
      %dma_wait3A_210 = arith.constant 0 : i32
      %dma_wait3A_211 = arith.constant 0 : i32
      %dma_wait3A_212 = tpu.memref_slice %arg3[%dma_wait3A_210, %dma_wait3A_211] : memref<2600000x16xf32, #tpu.memory_space<hbm>> -> memref<2600000x16xf32, #tpu.memory_space<hbm>>
      tpu.wait_indirect_dma semaphore(%arg10 : memref<!tpu.dma_semaphore, #tpu.memory_space<semaphore_mem>>) src(%dma_wait3A_212 : memref<2600000x16xf32, #tpu.memory_space<hbm>>) dst(%dma_wait3A_206 : memref<128x16xf32, #tpu.memory_space<vmem>>)
      %dma_wait3A_213 = arith.constant 384 : i32
      %dma_wait3A_214 = tpu.memref_slice %arg9[%dma_wait3A_213] : memref<1024xf32, #tpu.memory_space<vmem>> -> memref<128xf32, #tpu.memory_space<vmem>>
      %dma_wait3A_215 = arith.constant 0 : i32
      %dma_wait3A_216 = tpu.memref_slice %arg7[%add3A_68, %dma_wait3A_215] : memref<104x128xi32, #tpu.memory_space<vmem>> -> memref<1x128xi32, #tpu.memory_space<vmem>>
      %dma_wait3A_217 = tpu.memref_squeeze %dma_wait3A_216 : memref<1x128xi32, #tpu.memory_space<vmem>> -> memref<128xi32, #tpu.memory_space<vmem>>
      %dma_wait3A_218 = arith.constant 0 : i32
      %dma_wait3A_219 = tpu.memref_slice %arg4[%dma_wait3A_218] : memref<2600000xf32, #tpu.memory_space<hbm>> -> memref<2600000xf32, #tpu.memory_space<hbm>>
      tpu.wait_indirect_dma semaphore(%arg11 : memref<!tpu.dma_semaphore, #tpu.memory_space<semaphore_mem>>) src(%dma_wait3A_219 : memref<2600000xf32, #tpu.memory_space<hbm>>) dst(%dma_wait3A_214 : memref<128xf32, #tpu.memory_space<vmem>>)
      %dma_wait3A_220 = arith.constant 512 : i32
      %dma_wait3A_221 = arith.constant 0 : i32
      %dma_wait3A_222 = tpu.memref_slice %arg8[%dma_wait3A_220, %dma_wait3A_221] : memref<1024x16xf32, #tpu.memory_space<vmem>> -> memref<128x16xf32, #tpu.memory_space<vmem>>
      %dma_wait3A_223 = arith.constant 0 : i32
      %dma_wait3A_224 = tpu.memref_slice %arg7[%add3A_86, %dma_wait3A_223] : memref<104x128xi32, #tpu.memory_space<vmem>> -> memref<1x128xi32, #tpu.memory_space<vmem>>
      %dma_wait3A_225 = tpu.memref_squeeze %dma_wait3A_224 : memref<1x128xi32, #tpu.memory_space<vmem>> -> memref<128xi32, #tpu.memory_space<vmem>>
      %dma_wait3A_226 = arith.constant 0 : i32
      %dma_wait3A_227 = arith.constant 0 : i32
      %dma_wait3A_228 = tpu.memref_slice %arg3[%dma_wait3A_226, %dma_wait3A_227] : memref<2600000x16xf32, #tpu.memory_space<hbm>> -> memref<2600000x16xf32, #tpu.memory_space<hbm>>
      tpu.wait_indirect_dma semaphore(%arg10 : memref<!tpu.dma_semaphore, #tpu.memory_space<semaphore_mem>>) src(%dma_wait3A_228 : memref<2600000x16xf32, #tpu.memory_space<hbm>>) dst(%dma_wait3A_222 : memref<128x16xf32, #tpu.memory_space<vmem>>)
      %dma_wait3A_229 = arith.constant 512 : i32
      %dma_wait3A_230 = tpu.memref_slice %arg9[%dma_wait3A_229] : memref<1024xf32, #tpu.memory_space<vmem>> -> memref<128xf32, #tpu.memory_space<vmem>>
      %dma_wait3A_231 = arith.constant 0 : i32
      %dma_wait3A_232 = tpu.memref_slice %arg7[%add3A_86, %dma_wait3A_231] : memref<104x128xi32, #tpu.memory_space<vmem>> -> memref<1x128xi32, #tpu.memory_space<vmem>>
      %dma_wait3A_233 = tpu.memref_squeeze %dma_wait3A_232 : memref<1x128xi32, #tpu.memory_space<vmem>> -> memref<128xi32, #tpu.memory_space<vmem>>
      %dma_wait3A_234 = arith.constant 0 : i32
      %dma_wait3A_235 = tpu.memref_slice %arg4[%dma_wait3A_234] : memref<2600000xf32, #tpu.memory_space<hbm>> -> memref<2600000xf32, #tpu.memory_space<hbm>>
      tpu.wait_indirect_dma semaphore(%arg11 : memref<!tpu.dma_semaphore, #tpu.memory_space<semaphore_mem>>) src(%dma_wait3A_235 : memref<2600000xf32, #tpu.memory_space<hbm>>) dst(%dma_wait3A_230 : memref<128xf32, #tpu.memory_space<vmem>>)
      %dma_wait3A_236 = arith.constant 640 : i32
      %dma_wait3A_237 = arith.constant 0 : i32
      %dma_wait3A_238 = tpu.memref_slice %arg8[%dma_wait3A_236, %dma_wait3A_237] : memref<1024x16xf32, #tpu.memory_space<vmem>> -> memref<128x16xf32, #tpu.memory_space<vmem>>
      %dma_wait3A_239 = arith.constant 0 : i32
      %dma_wait3A_240 = tpu.memref_slice %arg7[%add3A_104, %dma_wait3A_239] : memref<104x128xi32, #tpu.memory_space<vmem>> -> memref<1x128xi32, #tpu.memory_space<vmem>>
      %dma_wait3A_241 = tpu.memref_squeeze %dma_wait3A_240 : memref<1x128xi32, #tpu.memory_space<vmem>> -> memref<128xi32, #tpu.memory_space<vmem>>
      %dma_wait3A_242 = arith.constant 0 : i32
      %dma_wait3A_243 = arith.constant 0 : i32
      %dma_wait3A_244 = tpu.memref_slice %arg3[%dma_wait3A_242, %dma_wait3A_243] : memref<2600000x16xf32, #tpu.memory_space<hbm>> -> memref<2600000x16xf32, #tpu.memory_space<hbm>>
      tpu.wait_indirect_dma semaphore(%arg10 : memref<!tpu.dma_semaphore, #tpu.memory_space<semaphore_mem>>) src(%dma_wait3A_244 : memref<2600000x16xf32, #tpu.memory_space<hbm>>) dst(%dma_wait3A_238 : memref<128x16xf32, #tpu.memory_space<vmem>>)
      %dma_wait3A_245 = arith.constant 640 : i32
      %dma_wait3A_246 = tpu.memref_slice %arg9[%dma_wait3A_245] : memref<1024xf32, #tpu.memory_space<vmem>> -> memref<128xf32, #tpu.memory_space<vmem>>
      %dma_wait3A_247 = arith.constant 0 : i32
      %dma_wait3A_248 = tpu.memref_slice %arg7[%add3A_104, %dma_wait3A_247] : memref<104x128xi32, #tpu.memory_space<vmem>> -> memref<1x128xi32, #tpu.memory_space<vmem>>
      %dma_wait3A_249 = tpu.memref_squeeze %dma_wait3A_248 : memref<1x128xi32, #tpu.memory_space<vmem>> -> memref<128xi32, #tpu.memory_space<vmem>>
      %dma_wait3A_250 = arith.constant 0 : i32
      %dma_wait3A_251 = tpu.memref_slice %arg4[%dma_wait3A_250] : memref<2600000xf32, #tpu.memory_space<hbm>> -> memref<2600000xf32, #tpu.memory_space<hbm>>
      tpu.wait_indirect_dma semaphore(%arg11 : memref<!tpu.dma_semaphore, #tpu.memory_space<semaphore_mem>>) src(%dma_wait3A_251 : memref<2600000xf32, #tpu.memory_space<hbm>>) dst(%dma_wait3A_246 : memref<128xf32, #tpu.memory_space<vmem>>)
      %dma_wait3A_252 = arith.constant 768 : i32
      %dma_wait3A_253 = arith.constant 0 : i32
      %dma_wait3A_254 = tpu.memref_slice %arg8[%dma_wait3A_252, %dma_wait3A_253] : memref<1024x16xf32, #tpu.memory_space<vmem>> -> memref<128x16xf32, #tpu.memory_space<vmem>>
      %dma_wait3A_255 = arith.constant 0 : i32
      %dma_wait3A_256 = tpu.memref_slice %arg7[%add3A_122, %dma_wait3A_255] : memref<104x128xi32, #tpu.memory_space<vmem>> -> memref<1x128xi32, #tpu.memory_space<vmem>>
      %dma_wait3A_257 = tpu.memref_squeeze %dma_wait3A_256 : memref<1x128xi32, #tpu.memory_space<vmem>> -> memref<128xi32, #tpu.memory_space<vmem>>
      %dma_wait3A_258 = arith.constant 0 : i32
      %dma_wait3A_259 = arith.constant 0 : i32
      %dma_wait3A_260 = tpu.memref_slice %arg3[%dma_wait3A_258, %dma_wait3A_259] : memref<2600000x16xf32, #tpu.memory_space<hbm>> -> memref<2600000x16xf32, #tpu.memory_space<hbm>>
      tpu.wait_indirect_dma semaphore(%arg10 : memref<!tpu.dma_semaphore, #tpu.memory_space<semaphore_mem>>) src(%dma_wait3A_260 : memref<2600000x16xf32, #tpu.memory_space<hbm>>) dst(%dma_wait3A_254 : memref<128x16xf32, #tpu.memory_space<vmem>>)
      %dma_wait3A_261 = arith.constant 768 : i32
      %dma_wait3A_262 = tpu.memref_slice %arg9[%dma_wait3A_261] : memref<1024xf32, #tpu.memory_space<vmem>> -> memref<128xf32, #tpu.memory_space<vmem>>
      %dma_wait3A_263 = arith.constant 0 : i32
      %dma_wait3A_264 = tpu.memref_slice %arg7[%add3A_122, %dma_wait3A_263] : memref<104x128xi32, #tpu.memory_space<vmem>> -> memref<1x128xi32, #tpu.memory_space<vmem>>
      %dma_wait3A_265 = tpu.memref_squeeze %dma_wait3A_264 : memref<1x128xi32, #tpu.memory_space<vmem>> -> memref<128xi32, #tpu.memory_space<vmem>>
      %dma_wait3A_266 = arith.constant 0 : i32
      %dma_wait3A_267 = tpu.memref_slice %arg4[%dma_wait3A_266] : memref<2600000xf32, #tpu.memory_space<hbm>> -> memref<2600000xf32, #tpu.memory_space<hbm>>
      tpu.wait_indirect_dma semaphore(%arg11 : memref<!tpu.dma_semaphore, #tpu.memory_space<semaphore_mem>>) src(%dma_wait3A_267 : memref<2600000xf32, #tpu.memory_space<hbm>>) dst(%dma_wait3A_262 : memref<128xf32, #tpu.memory_space<vmem>>)
      %dma_wait3A_268 = arith.constant 896 : i32
      %dma_wait3A_269 = arith.constant 0 : i32
      %dma_wait3A_270 = tpu.memref_slice %arg8[%dma_wait3A_268, %dma_wait3A_269] : memref<1024x16xf32, #tpu.memory_space<vmem>> -> memref<128x16xf32, #tpu.memory_space<vmem>>
      %dma_wait3A_271 = arith.constant 0 : i32
      %dma_wait3A_272 = tpu.memref_slice %arg7[%add3A_140, %dma_wait3A_271] : memref<104x128xi32, #tpu.memory_space<vmem>> -> memref<1x128xi32, #tpu.memory_space<vmem>>
      %dma_wait3A_273 = tpu.memref_squeeze %dma_wait3A_272 : memref<1x128xi32, #tpu.memory_space<vmem>> -> memref<128xi32, #tpu.memory_space<vmem>>
      %dma_wait3A_274 = arith.constant 0 : i32
      %dma_wait3A_275 = arith.constant 0 : i32
      %dma_wait3A_276 = tpu.memref_slice %arg3[%dma_wait3A_274, %dma_wait3A_275] : memref<2600000x16xf32, #tpu.memory_space<hbm>> -> memref<2600000x16xf32, #tpu.memory_space<hbm>>
      tpu.wait_indirect_dma semaphore(%arg10 : memref<!tpu.dma_semaphore, #tpu.memory_space<semaphore_mem>>) src(%dma_wait3A_276 : memref<2600000x16xf32, #tpu.memory_space<hbm>>) dst(%dma_wait3A_270 : memref<128x16xf32, #tpu.memory_space<vmem>>)
      %dma_wait3A_277 = arith.constant 896 : i32
      %dma_wait3A_278 = tpu.memref_slice %arg9[%dma_wait3A_277] : memref<1024xf32, #tpu.memory_space<vmem>> -> memref<128xf32, #tpu.memory_space<vmem>>
      %dma_wait3A_279 = arith.constant 0 : i32
      %dma_wait3A_280 = tpu.memref_slice %arg7[%add3A_140, %dma_wait3A_279] : memref<104x128xi32, #tpu.memory_space<vmem>> -> memref<1x128xi32, #tpu.memory_space<vmem>>
      %dma_wait3A_281 = tpu.memref_squeeze %dma_wait3A_280 : memref<1x128xi32, #tpu.memory_space<vmem>> -> memref<128xi32, #tpu.memory_space<vmem>>
      %dma_wait3A_282 = arith.constant 0 : i32
      %dma_wait3A_283 = tpu.memref_slice %arg4[%dma_wait3A_282] : memref<2600000xf32, #tpu.memory_space<hbm>> -> memref<2600000xf32, #tpu.memory_space<hbm>>
      tpu.wait_indirect_dma semaphore(%arg11 : memref<!tpu.dma_semaphore, #tpu.memory_space<semaphore_mem>>) src(%dma_wait3A_283 : memref<2600000xf32, #tpu.memory_space<hbm>>) dst(%dma_wait3A_278 : memref<128xf32, #tpu.memory_space<vmem>>)
      %add3A_284 = arith.addi %mul3A_2, %mul3A_13 : i32
      %mul3A_285 = arith.constant 128 : i32
      %mul3A_286 = arith.muli %add3A_284, %mul3A_285 : i32
      "tpu.region"() ({
        %run_scoped3A = tpu.sem_alloc : memref<!tpu.dma_semaphore, #tpu.memory_space<semaphore_mem>>
        %dma_start3A_287 = arith.constant 0 : i32
        %dma_start3A_288 = tpu.memref_slice %arg5[%mul3A_286, %dma_start3A_287] : memref<425984x16xf32, #tpu.memory_space<hbm>> -> memref<1024x16xf32, #tpu.memory_space<hbm>>
        %dma_start3A_289 = arith.constant 0 : i32
        %dma_start3A_290 = tpu.memref_slice %arg5[%mul3A_286, %dma_start3A_289] : memref<425984x16xf32, #tpu.memory_space<hbm>> -> memref<1024x16xf32, #tpu.memory_space<hbm>>
        tpu.enqueue_dma source(%arg8 : memref<1024x16xf32, #tpu.memory_space<vmem>>) target(%dma_start3A_290 : memref<1024x16xf32, #tpu.memory_space<hbm>>) target_semaphore(%run_scoped3A : memref<!tpu.dma_semaphore, #tpu.memory_space<semaphore_mem>>)
        %dma_wait3A_291 = arith.constant 0 : i32
        %dma_wait3A_292 = tpu.memref_slice %arg5[%mul3A_286, %dma_wait3A_291] : memref<425984x16xf32, #tpu.memory_space<hbm>> -> memref<1024x16xf32, #tpu.memory_space<hbm>>
        %dma_wait3A_293 = arith.constant 0 : i32
        %dma_wait3A_294 = tpu.memref_slice %arg5[%mul3A_286, %dma_wait3A_293] : memref<425984x16xf32, #tpu.memory_space<hbm>> -> memref<1024x16xf32, #tpu.memory_space<hbm>>
        tpu.wait_dma2 semaphore(%run_scoped3A : memref<!tpu.dma_semaphore, #tpu.memory_space<semaphore_mem>>) src(%arg8 : memref<1024x16xf32, #tpu.memory_space<vmem>>) dst(%dma_wait3A_294 : memref<1024x16xf32, #tpu.memory_space<hbm>>)
        tpu.yield
      }) : () -> ()
      "tpu.region"() ({
        %run_scoped3A = tpu.sem_alloc : memref<!tpu.dma_semaphore, #tpu.memory_space<semaphore_mem>>
        %dma_start3A_287 = tpu.memref_slice %arg6[%mul3A_286] : memref<425984xf32, #tpu.memory_space<hbm>> -> memref<1024xf32, #tpu.memory_space<hbm>>
        %dma_start3A_288 = tpu.memref_slice %arg6[%mul3A_286] : memref<425984xf32, #tpu.memory_space<hbm>> -> memref<1024xf32, #tpu.memory_space<hbm>>
        tpu.enqueue_dma source(%arg9 : memref<1024xf32, #tpu.memory_space<vmem>>) target(%dma_start3A_288 : memref<1024xf32, #tpu.memory_space<hbm>>) target_semaphore(%run_scoped3A : memref<!tpu.dma_semaphore, #tpu.memory_space<semaphore_mem>>)
        %dma_wait3A_289 = tpu.memref_slice %arg6[%mul3A_286] : memref<425984xf32, #tpu.memory_space<hbm>> -> memref<1024xf32, #tpu.memory_space<hbm>>
        %dma_wait3A_290 = tpu.memref_slice %arg6[%mul3A_286] : memref<425984xf32, #tpu.memory_space<hbm>> -> memref<1024xf32, #tpu.memory_space<hbm>>
        tpu.wait_dma2 semaphore(%run_scoped3A : memref<!tpu.dma_semaphore, #tpu.memory_space<semaphore_mem>>) src(%arg9 : memref<1024xf32, #tpu.memory_space<vmem>>) dst(%dma_wait3A_290 : memref<1024xf32, #tpu.memory_space<hbm>>)
        tpu.yield
      }) : () -> ()
    }
    %scan3A_6 = arith.constant 13 : i32
    return
  }
}

module attributes {stable_mosaic.version = 14 : i64} {
  func.func @_relayout_body(%arg0: i32, %arg1: memref<16x16384xf32, #tpu.memory_space<vmem>>, %arg2: memref<16x16xf32, #tpu.memory_space<vmem>>, %arg3: memref<2048x128xf32, #tpu.memory_space<vmem>>) attributes {dimension_semantics = [#tpu.dimension_semantics<arbitrary>], iteration_bounds = array<i64: 159>, scalar_prefetch = 0 : i64, scratch_operands = 0 : i64, tpu.core_type = #tpu.core_type<tc>, window_params = [{transform_indices = @transform_0, window_bounds = array<i64: 16, 16384>}, {pipeline_mode = #tpu.pipeline_mode<synchronous>, transform_indices = @transform_1, window_bounds = array<i64: 16, 16>}, {transform_indices = @transform_2, window_bounds = array<i64: 2048, 128>}]} {
    %get3A = arith.constant 0 : index
    %get3A_0 = arith.constant 0 : index
    %get3A_1 = vector.load %arg1[%get3A, %get3A_0] : memref<16x16384xf32, #tpu.memory_space<vmem>>, vector<16x16384xf32>
    %get3A_2 = arith.constant 0 : index
    %get3A_3 = arith.constant 0 : index
    %get3A_4 = vector.load %arg2[%get3A_2, %get3A_3] : memref<16x16xf32, #tpu.memory_space<vmem>>, vector<16x16xf32>
    %dot_general3A = arith.constant dense<0.000000e+00> : vector<16384x16xf32>
    %dot_general3A_5 = tpu.matmul %get3A_1, %get3A_4, %dot_general3A {dimension_numbers = #tpu.dot_dimension_numbers<[0], [0], [1], [1], [0, 1, 1, 1], [], []>, transpose_lhs_hint = false} : vector<16x16384xf32>, vector<16x16xf32>, vector<16384x16xf32> -> vector<16384x16xf32>
    %reshape3A = vector.shape_cast %dot_general3A_5 : vector<16384x16xf32> to vector<2048x8x16xf32>
    %slice3A = vector.extract_strided_slice %reshape3A {offsets = [0, 0, 0], sizes = [2048, 1, 16], strides = [1, 1, 1]} : vector<2048x8x16xf32> to vector<2048x1x16xf32>
    %squeeze3A = vector.shape_cast %slice3A : vector<2048x1x16xf32> to vector<2048x16xf32>
    %slice3A_6 = vector.extract_strided_slice %reshape3A {offsets = [0, 1, 0], sizes = [2048, 1, 16], strides = [1, 1, 1]} : vector<2048x8x16xf32> to vector<2048x1x16xf32>
    %squeeze3A_7 = vector.shape_cast %slice3A_6 : vector<2048x1x16xf32> to vector<2048x16xf32>
    %slice3A_8 = vector.extract_strided_slice %reshape3A {offsets = [0, 2, 0], sizes = [2048, 1, 16], strides = [1, 1, 1]} : vector<2048x8x16xf32> to vector<2048x1x16xf32>
    %squeeze3A_9 = vector.shape_cast %slice3A_8 : vector<2048x1x16xf32> to vector<2048x16xf32>
    %slice3A_10 = vector.extract_strided_slice %reshape3A {offsets = [0, 3, 0], sizes = [2048, 1, 16], strides = [1, 1, 1]} : vector<2048x8x16xf32> to vector<2048x1x16xf32>
    %squeeze3A_11 = vector.shape_cast %slice3A_10 : vector<2048x1x16xf32> to vector<2048x16xf32>
    %slice3A_12 = vector.extract_strided_slice %reshape3A {offsets = [0, 4, 0], sizes = [2048, 1, 16], strides = [1, 1, 1]} : vector<2048x8x16xf32> to vector<2048x1x16xf32>
    %squeeze3A_13 = vector.shape_cast %slice3A_12 : vector<2048x1x16xf32> to vector<2048x16xf32>
    %slice3A_14 = vector.extract_strided_slice %reshape3A {offsets = [0, 5, 0], sizes = [2048, 1, 16], strides = [1, 1, 1]} : vector<2048x8x16xf32> to vector<2048x1x16xf32>
    %squeeze3A_15 = vector.shape_cast %slice3A_14 : vector<2048x1x16xf32> to vector<2048x16xf32>
    %slice3A_16 = vector.extract_strided_slice %reshape3A {offsets = [0, 6, 0], sizes = [2048, 1, 16], strides = [1, 1, 1]} : vector<2048x8x16xf32> to vector<2048x1x16xf32>
    %squeeze3A_17 = vector.shape_cast %slice3A_16 : vector<2048x1x16xf32> to vector<2048x16xf32>
    %slice3A_18 = vector.extract_strided_slice %reshape3A {offsets = [0, 7, 0], sizes = [2048, 1, 16], strides = [1, 1, 1]} : vector<2048x8x16xf32> to vector<2048x1x16xf32>
    %squeeze3A_19 = vector.shape_cast %slice3A_18 : vector<2048x1x16xf32> to vector<2048x16xf32>
    %concatenate3A = tpu.concatenate %squeeze3A, %squeeze3A_7, %squeeze3A_9, %squeeze3A_11, %squeeze3A_13, %squeeze3A_15, %squeeze3A_17, %squeeze3A_19 in 1 : vector<2048x16xf32>, vector<2048x16xf32>, vector<2048x16xf32>, vector<2048x16xf32>, vector<2048x16xf32>, vector<2048x16xf32>, vector<2048x16xf32>, vector<2048x16xf32> -> vector<2048x128xf32>
    %swap3A = arith.constant 0 : index
    %swap3A_20 = arith.constant 0 : index
    %swap3A_21 = vector.load %arg3[%swap3A, %swap3A_20] : memref<2048x128xf32, #tpu.memory_space<vmem>>, vector<2048x128xf32>
    tpu.vector_store %arg3[%swap3A, %swap3A_20], %concatenate3A {strides = array<i32>} : memref<2048x128xf32, #tpu.memory_space<vmem>>, vector<2048x128xf32>,
    return
  }
  func.func @transform_0(%arg0: i32) -> (i32, i32) {
    %c0_i32 = arith.constant 0 : i32
    %c0_i32_0 = arith.constant 0 : i32
    return %c0_i32, %arg0 : i32, i32
  }
  func.func @transform_1(%arg0: i32) -> (i32, i32) {
    %c0_i32 = arith.constant 0 : i32
    %c0_i32_0 = arith.constant 0 : i32
    %c0_i32_1 = arith.constant 0 : i32
    return %c0_i32, %c0_i32_0 : i32, i32
  }
  func.func @transform_2(%arg0: i32) -> (i32, i32) {
    %c0_i32 = arith.constant 0 : i32
    %c0_i32_0 = arith.constant 0 : i32
    return %arg0, %c0_i32 : i32, i32
  }
}

module attributes {stable_mosaic.version = 14 : i64} {
  func.func @_stage_a_body(%arg0: i32, %arg1: memref<2048x416xf32, #tpu.memory_space<vmem>>, %arg2: memref<2048x26xf32, #tpu.memory_space<vmem>>, %arg3: memref<1xf32, #tpu.memory_space<vmem>>, %arg4: memref<416x128xf32, #tpu.memory_space<vmem>>, %arg5: memref<128xf32, #tpu.memory_space<vmem>>, %arg6: memref<416x16xf32, #tpu.memory_space<vmem>>, %arg7: memref<2048x128xf32, #tpu.memory_space<vmem>>, %arg8: memref<2048x1xf32, #tpu.memory_space<vmem>>, %arg9: memref<2x128xf32, #tpu.memory_space<vmem>>) attributes {dimension_semantics = [#tpu.dimension_semantics<arbitrary>], iteration_bounds = array<i64: 8>, scalar_prefetch = 0 : i64, scratch_operands = 0 : i64, tpu.core_type = #tpu.core_type<tc>, window_params = [{transform_indices = @transform_0, window_bounds = array<i64: 2048, 416>}, {transform_indices = @transform_1, window_bounds = array<i64: 2048, 26>}, {pipeline_mode = #tpu.pipeline_mode<synchronous>, transform_indices = @transform_2, window_bounds = array<i64: 1>}, {pipeline_mode = #tpu.pipeline_mode<synchronous>, transform_indices = @transform_3, window_bounds = array<i64: 416, 128>}, {pipeline_mode = #tpu.pipeline_mode<synchronous>, transform_indices = @transform_4, window_bounds = array<i64: 128>}, {pipeline_mode = #tpu.pipeline_mode<synchronous>, transform_indices = @transform_5, window_bounds = array<i64: 416, 16>}, {transform_indices = @transform_6, window_bounds = array<i64: 2048, 128>}, {transform_indices = @transform_7, window_bounds = array<i64: 2048, 1>}, {pipeline_mode = #tpu.pipeline_mode<synchronous>, transform_indices = @transform_8, window_bounds = array<i64: 2, 128>}]} {
    %get3A = arith.constant 0 : index
    %get3A_0 = arith.constant 0 : index
    %get3A_1 = vector.load %arg1[%get3A, %get3A_0] : memref<2048x416xf32, #tpu.memory_space<vmem>>, vector<2048x416xf32>
    %get3A_2 = arith.constant 0 : index
    %get3A_3 = arith.constant 0 : index
    %get3A_4 = vector.load %arg6[%get3A_2, %get3A_3] : memref<416x16xf32, #tpu.memory_space<vmem>>, vector<416x16xf32>
    %dot_general3A = arith.constant dense<0.000000e+00> : vector<2048x16xf32>
    %dot_general3A_5 = tpu.matmul %get3A_1, %get3A_4, %dot_general3A {dimension_numbers = #tpu.dot_dimension_numbers<[1], [0], [0], [1], [0, 0, 1, 1], [], []>, transpose_lhs_hint = false} : vector<2048x416xf32>, vector<416x16xf32>, vector<2048x16xf32> -> vector<2048x16xf32>
    %mul3A = arith.mulf %dot_general3A_5, %dot_general3A_5 : vector<2048x16xf32>
    %reduce_sum3A = arith.constant dense<0.000000e+00> : vector<2048xf32>
    %reduce_sum3A_6 = vector.multi_reduction <add>, %mul3A, %reduce_sum3A [1] : vector<2048x16xf32> to vector<2048xf32>
    %broadcast_in_dim3A = vector.shape_cast %reduce_sum3A_6 : vector<2048xf32> to vector<2048x1xf32>
    %mul3A_7 = arith.mulf %get3A_1, %get3A_1 : vector<2048x416xf32>
    %reduce_sum3A_8 = arith.constant dense<0.000000e+00> : vector<2048xf32>
    %reduce_sum3A_9 = vector.multi_reduction <add>, %mul3A_7, %reduce_sum3A_8 [1] : vector<2048x416xf32> to vector<2048xf32>
    %broadcast_in_dim3A_10 = vector.shape_cast %reduce_sum3A_9 : vector<2048xf32> to vector<2048x1xf32>
    %sub3A = arith.subf %broadcast_in_dim3A, %broadcast_in_dim3A_10 : vector<2048x1xf32>
    %mul3A_11 = arith.constant 5.000000e-01 : f32
    %mul3A_12 = vector.broadcast %mul3A_11 : f32 to vector<2048x1xf32>
    %mul3A_13 = arith.mulf %mul3A_12, %sub3A : vector<2048x1xf32>
    %get3A_14 = arith.constant 0 : index
    %get3A_15 = arith.constant 0 : index
    %get3A_16 = vector.load %arg2[%get3A_14, %get3A_15] : memref<2048x26xf32, #tpu.memory_space<vmem>>, vector<2048x26xf32>
    %reduce_sum3A_17 = arith.constant dense<0.000000e+00> : vector<2048xf32>
    %reduce_sum3A_18 = vector.multi_reduction <add>, %get3A_16, %reduce_sum3A_17 [1] : vector<2048x26xf32> to vector<2048xf32>
    %broadcast_in_dim3A_19 = vector.shape_cast %reduce_sum3A_18 : vector<2048xf32> to vector<2048x1xf32>
    %get3A_20 = arith.constant 0 : index
    %get3A_21 = vector.load %arg3[%get3A_20] : memref<1xf32, #tpu.memory_space<vmem>>, vector<1xf32>
    %broadcast_in_dim3A_22 = vector.shape_cast %get3A_21 : vector<1xf32> to vector<1x1xf32>
    %add3A = vector.broadcast %broadcast_in_dim3A_22 : vector<1x1xf32> to vector<2048x1xf32>
    %add3A_23 = arith.addf %broadcast_in_dim3A_19, %add3A : vector<2048x1xf32>
    %add3A_24 = arith.addf %mul3A_13, %add3A_23 : vector<2048x1xf32>
    %swap3A = arith.constant 0 : index
    %swap3A_25 = arith.constant 0 : index
    %swap3A_26 = vector.load %arg8[%swap3A, %swap3A_25] : memref<2048x1xf32, #tpu.memory_space<vmem>>, vector<2048x1xf32>
    tpu.vector_store %arg8[%swap3A, %swap3A_25], %add3A_24 {strides = array<i32>} : memref<2048x1xf32, #tpu.memory_space<vmem>>, vector<2048x1xf32>,
    %get3A_27 = arith.constant 0 : index
    %get3A_28 = arith.constant 0 : index
    %get3A_29 = vector.load %arg4[%get3A_27, %get3A_28] : memref<416x128xf32, #tpu.memory_space<vmem>>, vector<416x128xf32>
    %dot_general3A_30 = arith.constant dense<0.000000e+00> : vector<2048x128xf32>
    %dot_general3A_31 = tpu.matmul %get3A_1, %get3A_29, %dot_general3A_30 {dimension_numbers = #tpu.dot_dimension_numbers<[1], [0], [0], [1], [0, 0, 1, 1], [], []>, transpose_lhs_hint = false} : vector<2048x416xf32>, vector<416x128xf32>, vector<2048x128xf32> -> vector<2048x128xf32>
    %get3A_32 = arith.constant 0 : index
    %get3A_33 = vector.load %arg5[%get3A_32] : memref<128xf32, #tpu.memory_space<vmem>>, vector<128xf32>
    %broadcast_in_dim3A_34 = vector.shape_cast %get3A_33 : vector<128xf32> to vector<1x128xf32>
    %add3A_35 = vector.broadcast %broadcast_in_dim3A_34 : vector<1x128xf32> to vector<2048x128xf32>
    %add3A_36 = arith.addf %dot_general3A_31, %add3A_35 : vector<2048x128xf32>
    %swap3A_37 = arith.constant 0 : index
    %swap3A_38 = arith.constant 0 : index
    %swap3A_39 = vector.load %arg7[%swap3A_37, %swap3A_38] : memref<2048x128xf32, #tpu.memory_space<vmem>>, vector<2048x128xf32>
    tpu.vector_store %arg7[%swap3A_37, %swap3A_38], %add3A_36 {strides = array<i32>} : memref<2048x128xf32, #tpu.memory_space<vmem>>, vector<2048x128xf32>,
    %reduce_sum3A_40 = arith.constant dense<0.000000e+00> : vector<128xf32>
    %reduce_sum3A_41 = vector.multi_reduction <add>, %add3A_36, %reduce_sum3A_40 [0] : vector<2048x128xf32> to vector<128xf32>
    %broadcast_in_dim3A_42 = vector.shape_cast %reduce_sum3A_41 : vector<128xf32> to vector<1x128xf32>
    %mul3A_43 = arith.mulf %add3A_36, %add3A_36 : vector<2048x128xf32>
    %reduce_sum3A_44 = arith.constant dense<0.000000e+00> : vector<128xf32>
    %reduce_sum3A_45 = vector.multi_reduction <add>, %mul3A_43, %reduce_sum3A_44 [0] : vector<2048x128xf32> to vector<128xf32>
    %broadcast_in_dim3A_46 = vector.shape_cast %reduce_sum3A_45 : vector<128xf32> to vector<1x128xf32>
    %concatenate3A = tpu.concatenate %broadcast_in_dim3A_42, %broadcast_in_dim3A_46 in 0 : vector<1x128xf32>, vector<1x128xf32> -> vector<2x128xf32>
    %eq3A = arith.constant 0 : i32
    %eq3A_47 = arith.cmpi eq, %arg0, %eq3A : i32
    %convert_element_type3A = arith.extui %eq3A_47 : i1 to i32
    %cond3A = arith.constant 0 : i32
    %cond3A_48 = arith.cmpi ne, %convert_element_type3A, %cond3A : i32
    scf.if %cond3A_48 {
      %broadcast_in_dim3A_56 = arith.constant 0.000000e+00 : f32
      %broadcast_in_dim3A_57 = vector.broadcast %broadcast_in_dim3A_56 : f32 to vector<2x128xf32>
      %swap3A_58 = arith.constant 0 : index
      %swap3A_59 = arith.constant 0 : index
      %swap3A_60 = vector.load %arg9[%swap3A_58, %swap3A_59] : memref<2x128xf32, #tpu.memory_space<vmem>>, vector<2x128xf32>
      tpu.vector_store %arg9[%swap3A_58, %swap3A_59], %broadcast_in_dim3A_57 {strides = array<i32>} : memref<2x128xf32, #tpu.memory_space<vmem>>, vector<2x128xf32>,
    } else {
    }
    %get3A_49 = arith.constant 0 : index
    %get3A_50 = arith.constant 0 : index
    %get3A_51 = vector.load %arg9[%get3A_49, %get3A_50] : memref<2x128xf32, #tpu.memory_space<vmem>>, vector<2x128xf32>
    %add3A_52 = arith.addf %get3A_51, %concatenate3A : vector<2x128xf32>
    %swap3A_53 = arith.constant 0 : index
    %swap3A_54 = arith.constant 0 : index
    %swap3A_55 = vector.load %arg9[%swap3A_53, %swap3A_54] : memref<2x128xf32, #tpu.memory_space<vmem>>, vector<2x128xf32>
    tpu.vector_store %arg9[%swap3A_53, %swap3A_54], %add3A_52 {strides = array<i32>} : memref<2x128xf32, #tpu.memory_space<vmem>>, vector<2x128xf32>,
    return
  }
  func.func @transform_0(%arg0: i32) -> (i32, i32) {
    %c0_i32 = arith.constant 0 : i32
    %c0_i32_0 = arith.constant 0 : i32
    return %arg0, %c0_i32 : i32, i32
  }
  func.func @transform_1(%arg0: i32) -> (i32, i32) {
    %c0_i32 = arith.constant 0 : i32
    %c0_i32_0 = arith.constant 0 : i32
    return %arg0, %c0_i32 : i32, i32
  }
  func.func @transform_2(%arg0: i32) -> i32 {
    %c0_i32 = arith.constant 0 : i32
    %c0_i32_0 = arith.constant 0 : i32
    return %c0_i32 : i32
  }
  func.func @transform_3(%arg0: i32) -> (i32, i32) {
    %c0_i32 = arith.constant 0 : i32
    %c0_i32_0 = arith.constant 0 : i32
    %c0_i32_1 = arith.constant 0 : i32
    return %c0_i32, %c0_i32_0 : i32, i32
  }
  func.func @transform_4(%arg0: i32) -> i32 {
    %c0_i32 = arith.constant 0 : i32
    %c0_i32_0 = arith.constant 0 : i32
    return %c0_i32 : i32
  }
  func.func @transform_5(%arg0: i32) -> (i32, i32) {
    %c0_i32 = arith.constant 0 : i32
    %c0_i32_0 = arith.constant 0 : i32
    %c0_i32_1 = arith.constant 0 : i32
    return %c0_i32, %c0_i32_0 : i32, i32
  }
  func.func @transform_6(%arg0: i32) -> (i32, i32) {
    %c0_i32 = arith.constant 0 : i32
    %c0_i32_0 = arith.constant 0 : i32
    return %arg0, %c0_i32 : i32, i32
  }
  func.func @transform_7(%arg0: i32) -> (i32, i32) {
    %c0_i32 = arith.constant 0 : i32
    %c0_i32_0 = arith.constant 0 : i32
    return %arg0, %c0_i32 : i32, i32
  }
  func.func @transform_8(%arg0: i32) -> (i32, i32) {
    %c0_i32 = arith.constant 0 : i32
    %c0_i32_0 = arith.constant 0 : i32
    %c0_i32_1 = arith.constant 0 : i32
    return %c0_i32, %c0_i32_0 : i32, i32
  }
}

module attributes {stable_mosaic.version = 14 : i64} {
  func.func @_stage_b_body(%arg0: i32, %arg1: memref<2048x128xf32, #tpu.memory_space<vmem>>, %arg2: memref<2x128xf32, #tpu.memory_space<vmem>>, %arg3: memref<128xf32, #tpu.memory_space<vmem>>, %arg4: memref<128xf32, #tpu.memory_space<vmem>>, %arg5: memref<128x64xf32, #tpu.memory_space<vmem>>, %arg6: memref<64xf32, #tpu.memory_space<vmem>>, %arg7: memref<2048x64xf32, #tpu.memory_space<vmem>>, %arg8: memref<2x64xf32, #tpu.memory_space<vmem>>) attributes {dimension_semantics = [#tpu.dimension_semantics<arbitrary>], iteration_bounds = array<i64: 8>, scalar_prefetch = 0 : i64, scratch_operands = 0 : i64, tpu.core_type = #tpu.core_type<tc>, window_params = [{transform_indices = @transform_0, window_bounds = array<i64: 2048, 128>}, {pipeline_mode = #tpu.pipeline_mode<synchronous>, transform_indices = @transform_1, window_bounds = array<i64: 2, 128>}, {pipeline_mode = #tpu.pipeline_mode<synchronous>, transform_indices = @transform_2, window_bounds = array<i64: 128>}, {pipeline_mode = #tpu.pipeline_mode<synchronous>, transform_indices = @transform_3, window_bounds = array<i64: 128>}, {pipeline_mode = #tpu.pipeline_mode<synchronous>, transform_indices = @transform_4, window_bounds = array<i64: 128, 64>}, {pipeline_mode = #tpu.pipeline_mode<synchronous>, transform_indices = @transform_5, window_bounds = array<i64: 64>}, {transform_indices = @transform_6, window_bounds = array<i64: 2048, 64>}, {pipeline_mode = #tpu.pipeline_mode<synchronous>, transform_indices = @transform_7, window_bounds = array<i64: 2, 64>}]} {
    %get3A = arith.constant 0 : index
    %get3A_0 = arith.constant 0 : index
    %get3A_1 = vector.load %arg2[%get3A, %get3A_0] : memref<2x128xf32, #tpu.memory_space<vmem>>, vector<2x128xf32>
    %slice3A = vector.extract_strided_slice %get3A_1 {offsets = [0, 0], sizes = [1, 128], strides = [1, 1]} : vector<2x128xf32> to vector<1x128xf32>
    %div3A = arith.constant 1.638400e+04 : f32
    %div3A_2 = vector.broadcast %div3A : f32 to vector<1x128xf32>
    %div3A_3 = arith.divf %slice3A, %div3A_2 : vector<1x128xf32>
    %slice3A_4 = vector.extract_strided_slice %get3A_1 {offsets = [1, 0], sizes = [1, 128], strides = [1, 1]} : vector<2x128xf32> to vector<1x128xf32>
    %div3A_5 = arith.constant 1.638400e+04 : f32
    %div3A_6 = vector.broadcast %div3A_5 : f32 to vector<1x128xf32>
    %div3A_7 = arith.divf %slice3A_4, %div3A_6 : vector<1x128xf32>
    %mul3A = arith.mulf %div3A_3, %div3A_3 : vector<1x128xf32>
    %sub3A = arith.subf %div3A_7, %mul3A : vector<1x128xf32>
    %get3A_8 = arith.constant 0 : index
    %get3A_9 = vector.load %arg3[%get3A_8] : memref<128xf32, #tpu.memory_space<vmem>>, vector<128xf32>
    %get3A_10 = arith.constant 0 : index
    %get3A_11 = arith.constant 0 : index
    %get3A_12 = vector.load %arg1[%get3A_10, %get3A_11] : memref<2048x128xf32, #tpu.memory_space<vmem>>, vector<2048x128xf32>
    %sub3A_13 = vector.broadcast %div3A_3 : vector<1x128xf32> to vector<2048x128xf32>
    %sub3A_14 = arith.subf %get3A_12, %sub3A_13 : vector<2048x128xf32>
    %broadcast_in_dim3A = vector.shape_cast %get3A_9 : vector<128xf32> to vector<1x128xf32>
    %mul3A_15 = vector.broadcast %broadcast_in_dim3A : vector<1x128xf32> to vector<2048x128xf32>
    %mul3A_16 = arith.mulf %mul3A_15, %sub3A_14 : vector<2048x128xf32>
    %add3A = arith.constant 9.99999974E-6 : f32
    %add3A_17 = vector.broadcast %add3A : f32 to vector<1x128xf32>
    %add3A_18 = arith.addf %sub3A, %add3A_17 : vector<1x128xf32>
    %sqrt3A = math.sqrt %add3A_18 : vector<1x128xf32>
    %div3A_19 = vector.broadcast %sqrt3A : vector<1x128xf32> to vector<2048x128xf32>
    %div3A_20 = arith.divf %mul3A_16, %div3A_19 : vector<2048x128xf32>
    %get3A_21 = arith.constant 0 : index
    %get3A_22 = vector.load %arg4[%get3A_21] : memref<128xf32, #tpu.memory_space<vmem>>, vector<128xf32>
    %broadcast_in_dim3A_23 = vector.shape_cast %get3A_22 : vector<128xf32> to vector<1x128xf32>
    %add3A_24 = vector.broadcast %broadcast_in_dim3A_23 : vector<1x128xf32> to vector<2048x128xf32>
    %add3A_25 = arith.addf %div3A_20, %add3A_24 : vector<2048x128xf32>
    %max3A = arith.constant 0.000000e+00 : f32
    %max3A_26 = vector.broadcast %max3A : f32 to vector<2048x128xf32>
    %max3A_27 = arith.maximumf %add3A_25, %max3A_26 : vector<2048x128xf32>
    %get3A_28 = arith.constant 0 : index
    %get3A_29 = arith.constant 0 : index
    %get3A_30 = vector.load %arg5[%get3A_28, %get3A_29] : memref<128x64xf32, #tpu.memory_space<vmem>>, vector<128x64xf32>
    %dot_general3A = arith.constant dense<0.000000e+00> : vector<2048x64xf32>
    %dot_general3A_31 = tpu.matmul %max3A_27, %get3A_30, %dot_general3A {dimension_numbers = #tpu.dot_dimension_numbers<[1], [0], [0], [1], [0, 0, 1, 1], [], []>, transpose_lhs_hint = false} : vector<2048x128xf32>, vector<128x64xf32>, vector<2048x64xf32> -> vector<2048x64xf32>
    %get3A_32 = arith.constant 0 : index
    %get3A_33 = vector.load %arg6[%get3A_32] : memref<64xf32, #tpu.memory_space<vmem>>, vector<64xf32>
    %broadcast_in_dim3A_34 = vector.shape_cast %get3A_33 : vector<64xf32> to vector<1x64xf32>
    %add3A_35 = vector.broadcast %broadcast_in_dim3A_34 : vector<1x64xf32> to vector<2048x64xf32>
    %add3A_36 = arith.addf %dot_general3A_31, %add3A_35 : vector<2048x64xf32>
    %swap3A = arith.constant 0 : index
    %swap3A_37 = arith.constant 0 : index
    %swap3A_38 = vector.load %arg7[%swap3A, %swap3A_37] : memref<2048x64xf32, #tpu.memory_space<vmem>>, vector<2048x64xf32>
    tpu.vector_store %arg7[%swap3A, %swap3A_37], %add3A_36 {strides = array<i32>} : memref<2048x64xf32, #tpu.memory_space<vmem>>, vector<2048x64xf32>,
    %reduce_sum3A = arith.constant dense<0.000000e+00> : vector<64xf32>
    %reduce_sum3A_39 = vector.multi_reduction <add>, %add3A_36, %reduce_sum3A [0] : vector<2048x64xf32> to vector<64xf32>
    %broadcast_in_dim3A_40 = vector.shape_cast %reduce_sum3A_39 : vector<64xf32> to vector<1x64xf32>
    %mul3A_41 = arith.mulf %add3A_36, %add3A_36 : vector<2048x64xf32>
    %reduce_sum3A_42 = arith.constant dense<0.000000e+00> : vector<64xf32>
    %reduce_sum3A_43 = vector.multi_reduction <add>, %mul3A_41, %reduce_sum3A_42 [0] : vector<2048x64xf32> to vector<64xf32>
    %broadcast_in_dim3A_44 = vector.shape_cast %reduce_sum3A_43 : vector<64xf32> to vector<1x64xf32>
    %concatenate3A = tpu.concatenate %broadcast_in_dim3A_40, %broadcast_in_dim3A_44 in 0 : vector<1x64xf32>, vector<1x64xf32> -> vector<2x64xf32>
    %eq3A = arith.constant 0 : i32
    %eq3A_45 = arith.cmpi eq, %arg0, %eq3A : i32
    %convert_element_type3A = arith.extui %eq3A_45 : i1 to i32
    %cond3A = arith.constant 0 : i32
    %cond3A_46 = arith.cmpi ne, %convert_element_type3A, %cond3A : i32
    scf.if %cond3A_46 {
      %broadcast_in_dim3A_54 = arith.constant 0.000000e+00 : f32
      %broadcast_in_dim3A_55 = vector.broadcast %broadcast_in_dim3A_54 : f32 to vector<2x64xf32>
      %swap3A_56 = arith.constant 0 : index
      %swap3A_57 = arith.constant 0 : index
      %swap3A_58 = vector.load %arg8[%swap3A_56, %swap3A_57] : memref<2x64xf32, #tpu.memory_space<vmem>>, vector<2x64xf32>
      tpu.vector_store %arg8[%swap3A_56, %swap3A_57], %broadcast_in_dim3A_55 {strides = array<i32>} : memref<2x64xf32, #tpu.memory_space<vmem>>, vector<2x64xf32>,
    } else {
    }
    %get3A_47 = arith.constant 0 : index
    %get3A_48 = arith.constant 0 : index
    %get3A_49 = vector.load %arg8[%get3A_47, %get3A_48] : memref<2x64xf32, #tpu.memory_space<vmem>>, vector<2x64xf32>
    %add3A_50 = arith.addf %get3A_49, %concatenate3A : vector<2x64xf32>
    %swap3A_51 = arith.constant 0 : index
    %swap3A_52 = arith.constant 0 : index
    %swap3A_53 = vector.load %arg8[%swap3A_51, %swap3A_52] : memref<2x64xf32, #tpu.memory_space<vmem>>, vector<2x64xf32>
    tpu.vector_store %arg8[%swap3A_51, %swap3A_52], %add3A_50 {strides = array<i32>} : memref<2x64xf32, #tpu.memory_space<vmem>>, vector<2x64xf32>,
    return
  }
  func.func @transform_0(%arg0: i32) -> (i32, i32) {
    %c0_i32 = arith.constant 0 : i32
    %c0_i32_0 = arith.constant 0 : i32
    return %arg0, %c0_i32 : i32, i32
  }
  func.func @transform_1(%arg0: i32) -> (i32, i32) {
    %c0_i32 = arith.constant 0 : i32
    %c0_i32_0 = arith.constant 0 : i32
    %c0_i32_1 = arith.constant 0 : i32
    return %c0_i32, %c0_i32_0 : i32, i32
  }
  func.func @transform_2(%arg0: i32) -> i32 {
    %c0_i32 = arith.constant 0 : i32
    %c0_i32_0 = arith.constant 0 : i32
    return %c0_i32 : i32
  }
  func.func @transform_3(%arg0: i32) -> i32 {
    %c0_i32 = arith.constant 0 : i32
    %c0_i32_0 = arith.constant 0 : i32
    return %c0_i32 : i32
  }
  func.func @transform_4(%arg0: i32) -> (i32, i32) {
    %c0_i32 = arith.constant 0 : i32
    %c0_i32_0 = arith.constant 0 : i32
    %c0_i32_1 = arith.constant 0 : i32
    return %c0_i32, %c0_i32_0 : i32, i32
  }
  func.func @transform_5(%arg0: i32) -> i32 {
    %c0_i32 = arith.constant 0 : i32
    %c0_i32_0 = arith.constant 0 : i32
    return %c0_i32 : i32
  }
  func.func @transform_6(%arg0: i32) -> (i32, i32) {
    %c0_i32 = arith.constant 0 : i32
    %c0_i32_0 = arith.constant 0 : i32
    return %arg0, %c0_i32 : i32, i32
  }
  func.func @transform_7(%arg0: i32) -> (i32, i32) {
    %c0_i32 = arith.constant 0 : i32
    %c0_i32_0 = arith.constant 0 : i32
    %c0_i32_1 = arith.constant 0 : i32
    return %c0_i32, %c0_i32_0 : i32, i32
  }
}

module attributes {stable_mosaic.version = 14 : i64} {
  func.func @_stage_c_body(%arg0: i32, %arg1: memref<2048x64xf32, #tpu.memory_space<vmem>>, %arg2: memref<2x64xf32, #tpu.memory_space<vmem>>, %arg3: memref<2048x1xf32, #tpu.memory_space<vmem>>, %arg4: memref<64xf32, #tpu.memory_space<vmem>>, %arg5: memref<64xf32, #tpu.memory_space<vmem>>, %arg6: memref<64x1xf32, #tpu.memory_space<vmem>>, %arg7: memref<1xf32, #tpu.memory_space<vmem>>, %arg8: memref<2048x1xf32, #tpu.memory_space<vmem>>) attributes {dimension_semantics = [#tpu.dimension_semantics<arbitrary>], iteration_bounds = array<i64: 8>, scalar_prefetch = 0 : i64, scratch_operands = 0 : i64, tpu.core_type = #tpu.core_type<tc>, window_params = [{transform_indices = @transform_0, window_bounds = array<i64: 2048, 64>}, {pipeline_mode = #tpu.pipeline_mode<synchronous>, transform_indices = @transform_1, window_bounds = array<i64: 2, 64>}, {transform_indices = @transform_2, window_bounds = array<i64: 2048, 1>}, {pipeline_mode = #tpu.pipeline_mode<synchronous>, transform_indices = @transform_3, window_bounds = array<i64: 64>}, {pipeline_mode = #tpu.pipeline_mode<synchronous>, transform_indices = @transform_4, window_bounds = array<i64: 64>}, {pipeline_mode = #tpu.pipeline_mode<synchronous>, transform_indices = @transform_5, window_bounds = array<i64: 64, 1>}, {pipeline_mode = #tpu.pipeline_mode<synchronous>, transform_indices = @transform_6, window_bounds = array<i64: 1>}, {transform_indices = @transform_7, window_bounds = array<i64: 2048, 1>}]} {
    %get3A = arith.constant 0 : index
    %get3A_0 = arith.constant 0 : index
    %get3A_1 = vector.load %arg2[%get3A, %get3A_0] : memref<2x64xf32, #tpu.memory_space<vmem>>, vector<2x64xf32>
    %slice3A = vector.extract_strided_slice %get3A_1 {offsets = [0, 0], sizes = [1, 64], strides = [1, 1]} : vector<2x64xf32> to vector<1x64xf32>
    %div3A = arith.constant 1.638400e+04 : f32
    %div3A_2 = vector.broadcast %div3A : f32 to vector<1x64xf32>
    %div3A_3 = arith.divf %slice3A, %div3A_2 : vector<1x64xf32>
    %slice3A_4 = vector.extract_strided_slice %get3A_1 {offsets = [1, 0], sizes = [1, 64], strides = [1, 1]} : vector<2x64xf32> to vector<1x64xf32>
    %div3A_5 = arith.constant 1.638400e+04 : f32
    %div3A_6 = vector.broadcast %div3A_5 : f32 to vector<1x64xf32>
    %div3A_7 = arith.divf %slice3A_4, %div3A_6 : vector<1x64xf32>
    %mul3A = arith.mulf %div3A_3, %div3A_3 : vector<1x64xf32>
    %sub3A = arith.subf %div3A_7, %mul3A : vector<1x64xf32>
    %get3A_8 = arith.constant 0 : index
    %get3A_9 = vector.load %arg4[%get3A_8] : memref<64xf32, #tpu.memory_space<vmem>>, vector<64xf32>
    %get3A_10 = arith.constant 0 : index
    %get3A_11 = arith.constant 0 : index
    %get3A_12 = vector.load %arg1[%get3A_10, %get3A_11] : memref<2048x64xf32, #tpu.memory_space<vmem>>, vector<2048x64xf32>
    %sub3A_13 = vector.broadcast %div3A_3 : vector<1x64xf32> to vector<2048x64xf32>
    %sub3A_14 = arith.subf %get3A_12, %sub3A_13 : vector<2048x64xf32>
    %broadcast_in_dim3A = vector.shape_cast %get3A_9 : vector<64xf32> to vector<1x64xf32>
    %mul3A_15 = vector.broadcast %broadcast_in_dim3A : vector<1x64xf32> to vector<2048x64xf32>
    %mul3A_16 = arith.mulf %mul3A_15, %sub3A_14 : vector<2048x64xf32>
    %add3A = arith.constant 9.99999974E-6 : f32
    %add3A_17 = vector.broadcast %add3A : f32 to vector<1x64xf32>
    %add3A_18 = arith.addf %sub3A, %add3A_17 : vector<1x64xf32>
    %sqrt3A = math.sqrt %add3A_18 : vector<1x64xf32>
    %div3A_19 = vector.broadcast %sqrt3A : vector<1x64xf32> to vector<2048x64xf32>
    %div3A_20 = arith.divf %mul3A_16, %div3A_19 : vector<2048x64xf32>
    %get3A_21 = arith.constant 0 : index
    %get3A_22 = vector.load %arg5[%get3A_21] : memref<64xf32, #tpu.memory_space<vmem>>, vector<64xf32>
    %broadcast_in_dim3A_23 = vector.shape_cast %get3A_22 : vector<64xf32> to vector<1x64xf32>
    %add3A_24 = vector.broadcast %broadcast_in_dim3A_23 : vector<1x64xf32> to vector<2048x64xf32>
    %add3A_25 = arith.addf %div3A_20, %add3A_24 : vector<2048x64xf32>
    %max3A = arith.constant 0.000000e+00 : f32
    %max3A_26 = vector.broadcast %max3A : f32 to vector<2048x64xf32>
    %max3A_27 = arith.maximumf %add3A_25, %max3A_26 : vector<2048x64xf32>
    %get3A_28 = arith.constant 0 : index
    %get3A_29 = arith.constant 0 : index
    %get3A_30 = vector.load %arg6[%get3A_28, %get3A_29] : memref<64x1xf32, #tpu.memory_space<vmem>>, vector<64x1xf32>
    %dot_general3A = arith.constant dense<0.000000e+00> : vector<2048x1xf32>
    %dot_general3A_31 = tpu.matmul %max3A_27, %get3A_30, %dot_general3A {dimension_numbers = #tpu.dot_dimension_numbers<[1], [0], [0], [1], [0, 0, 1, 1], [], []>, transpose_lhs_hint = false} : vector<2048x64xf32>, vector<64x1xf32>, vector<2048x1xf32> -> vector<2048x1xf32>
    %get3A_32 = arith.constant 0 : index
    %get3A_33 = vector.load %arg7[%get3A_32] : memref<1xf32, #tpu.memory_space<vmem>>, vector<1xf32>
    %broadcast_in_dim3A_34 = vector.shape_cast %get3A_33 : vector<1xf32> to vector<1x1xf32>
    %add3A_35 = vector.broadcast %broadcast_in_dim3A_34 : vector<1x1xf32> to vector<2048x1xf32>
    %add3A_36 = arith.addf %dot_general3A_31, %add3A_35 : vector<2048x1xf32>
    %get3A_37 = arith.constant 0 : index
    %get3A_38 = arith.constant 0 : index
    %get3A_39 = vector.load %arg3[%get3A_37, %get3A_38] : memref<2048x1xf32, #tpu.memory_space<vmem>>, vector<2048x1xf32>
    %add3A_40 = arith.addf %get3A_39, %add3A_36 : vector<2048x1xf32>
    %logistic3A = arith.negf %add3A_40 : vector<2048x1xf32>
    %logistic3A_41 = math.exp %logistic3A : vector<2048x1xf32>
    %logistic3A_42 = arith.constant 1.000000e+00 : f32
    %logistic3A_43 = vector.broadcast %logistic3A_42 : f32 to vector<2048x1xf32>
    %logistic3A_44 = arith.addf %logistic3A_43, %logistic3A_41 : vector<2048x1xf32>
    %logistic3A_45 = arith.divf %logistic3A_43, %logistic3A_44 : vector<2048x1xf32>
    %swap3A = arith.constant 0 : index
    %swap3A_46 = arith.constant 0 : index
    %swap3A_47 = vector.load %arg8[%swap3A, %swap3A_46] : memref<2048x1xf32, #tpu.memory_space<vmem>>, vector<2048x1xf32>
    tpu.vector_store %arg8[%swap3A, %swap3A_46], %logistic3A_45 {strides = array<i32>} : memref<2048x1xf32, #tpu.memory_space<vmem>>, vector<2048x1xf32>,
    return
  }
  func.func @transform_0(%arg0: i32) -> (i32, i32) {
    %c0_i32 = arith.constant 0 : i32
    %c0_i32_0 = arith.constant 0 : i32
    return %arg0, %c0_i32 : i32, i32
  }
  func.func @transform_1(%arg0: i32) -> (i32, i32) {
    %c0_i32 = arith.constant 0 : i32
    %c0_i32_0 = arith.constant 0 : i32
    %c0_i32_1 = arith.constant 0 : i32
    return %c0_i32, %c0_i32_0 : i32, i32
  }
  func.func @transform_2(%arg0: i32) -> (i32, i32) {
    %c0_i32 = arith.constant 0 : i32
    %c0_i32_0 = arith.constant 0 : i32
    return %arg0, %c0_i32 : i32, i32
  }
  func.func @transform_3(%arg0: i32) -> i32 {
    %c0_i32 = arith.constant 0 : i32
    %c0_i32_0 = arith.constant 0 : i32
    return %c0_i32 : i32
  }
  func.func @transform_4(%arg0: i32) -> i32 {
    %c0_i32 = arith.constant 0 : i32
    %c0_i32_0 = arith.constant 0 : i32
    return %c0_i32 : i32
  }
  func.func @transform_5(%arg0: i32) -> (i32, i32) {
    %c0_i32 = arith.constant 0 : i32
    %c0_i32_0 = arith.constant 0 : i32
    %c0_i32_1 = arith.constant 0 : i32
    return %c0_i32, %c0_i32_0 : i32, i32
  }
  func.func @transform_6(%arg0: i32) -> i32 {
    %c0_i32 = arith.constant 0 : i32
    %c0_i32_0 = arith.constant 0 : i32
    return %c0_i32 : i32
  }
  func.func @transform_7(%arg0: i32) -> (i32, i32) {
    %c0_i32 = arith.constant 0 : i32
    %c0_i32_0 = arith.constant 0 : i32
    return %arg0, %c0_i32 : i32, i32
  }
}

</mosaic_0001>

<sc_bundles>
// kernel: kernel.7.cloned.1.call-start
scs
__scs_entry_jumppad:
0x0: {  	(pc) =	sbr.rel $0x88, $3  }
0x1: {  	(tag) =	ssettag $0x0;
	lr =	simm.s32 $0x1  }
0x2: {  	[smem:$0x3F93] =	sst lr;
	_ =	strace $0xD0000000  }
0x3: {  	_ = 	snop  }
0x4: {  	_ = 	snop  }
0x5: {  	_ = 	snop  }
0x6: {  	_ = 	snop  }
0x7: {  	_ = 	snop  }
__scs_overlays_trampoline_lowered:
0x8: {  	[smem:$0x3FA2] =	sst s0  }
0x9: {  	[smem:$0x3FA3] =	sst s1  }
0xa: {  	[smem:$0x3FA4] =	sst s2  }
0xb: {  	[smem:$0x3FA5] =	sst s3  }
0xc: {  	[smem:$0x3FA6] =	sst s4  }
0xd: {  	[smem:$0x3FA7] =	sst s5  }
0xe: {  	[smem:$0x3FA8] =	sst s6  }
0xf: {  	[smem:$0x3FA9] =	sst s7  }
0x10: {  	[smem:$0x3FAA] =	sst s8  }
0x11: {  	[smem:$0x3FAB] =	sst s9;
	s0 =	simm.s32 @!p0 $0x0  }
0x12: {  	s1 =	sld [smem:$0x3F91];
	s0 =	simm.s32 @p0 $0x1  }
0x13: {  	[smem:$0x3FAC] =	sst s0;
	s0 =	simm.s32 @!p1 $0x0  }
0x14: {  	s2 =	sld [smem:$0x3F90];
	s0 =	simm.s32 @p1 $0x1  }
0x15: {  	[smem:$0x3FAD] =	sst s0;
	s0 =	simm.s32 @!p2 $0x0  }
0x16: {  	s3 =	sld [smem:$0x3FDB];
	s0 =	simm.s32 @p2 $0x1  }
0x17: {  	s4 =	simm.s32 $0x1BF5;
	[smem:$0x3FAF] =	sst s0  }
0x18: {  	s0 =	sld [smem:$0x3F92];
	_ =	swait.ge [sflag:s4], $0x0  }
0x19: {  	s7 =	sld [smem:$0x3F93]  }
0x1a: {  	s8 =	sadd.s32 $0xFFFFE003, lr  }
0x1b: {  	s9 =	sadd.s32 $0xFFFFFEF7, lr;
	s5 =	simm.s32 $0xFFFFFFFF;
	p2 =	slt.u32 s8, $0xFFFFF086  }
0x1c: {  	p1 =	slt.u32 s9, $0xF7A;
	s5 =	simm.s32 @!p2 $0x0  }
0x1d: {  	s5 =	simm.s32 @p1 $0x1;
	p0 =	seq.s32 s7, s2  }
0x1e: {  	s7 =	smul.u32 @!p0 $0xF7A, s2;
	p2 =	seq.s32 @!p0 s5, $0x0  }
0x1f: {  	s9 =	smul.u32 $0xF7A, s1;
	s8 =	simm.s32 @!p0 $0x1BF5;
	p2 =	por !p2, p0  }
0x20: {  	[sflag:s8] =	ssyncset.s32 @!p0 $0xFFFFF086;
	s6 =	sadd.s32 @!p0 s3, s7;
	s7 =	simm.s32 @!p0 $0x108  }
0x21: {  	s3 =	sadd.s32 s3, s9;
	s6 =	sadd.s32 @!p0 $0x88, s6;
	s7 =	simm.s32 @p2 $0x1082  }
0x22: {  	[simem:s7], [sflag:s8] =	dma.local @!p0 [hbm:s6], $0xF7A  }
0x23: {  	s9 =	sor.u32 $0xD0000000, s2;
	s6 =	simm.s32 $0x108;
	_ =	swait.ge @!p0 [sflag:s8], $0x0  }
0x24: {  	s3 =	sadd.s32 $0x88, s3;
	s6 =	simm.s32 @!p1 $0x1082;
	[sflag:s4] =	ssyncset.s32 $0xFFFFF086  }
0x25: {  	[simem:s6], [sflag:s4] =	dma.local [hbm:s3], $0xF7A  }
0x26: {  	[smem:$0x3F93] =	sst s1;
	(tag) =	ssettag s2;
	_ =	strace s9  }
0x27: {  	s1 =	sld [smem:$0x3FA3]  }
0x28: {  	s2 =	sld [smem:$0x3FA4]  }
0x29: {  	s4 =	sld [smem:$0x3FA6]  }
0x2a: {  	p0 =	seq.s32 s5, $0x0;
	s5 =	sld [smem:$0x3FA7]  }
0x2b: {  	s6 =	sld [smem:$0x3FA8]  }
0x2c: {  	s7 =	sld [smem:$0x3FA9]  }
0x2d: {  	s3 =	simm.s32 $0x108;
	s8 =	sld [smem:$0x3FAA]  }
0x2e: {  	s3 =	simm.s32 @!p0 $0x1082;
	s9 =	sld [smem:$0x3FAB]  }
0x2f: {  	lr =	sadd.s32 s0, s3;
	s0 =	sld [smem:$0x3FA2]  }
0x30: {  	s3 =	sld [smem:$0x3FA5]  }
0x31: {  	[smem:$0x3FAE] =	sst s10  }
0x32: {  	s10 =	sld [smem:$0x3FAC];
	_ =	sdelay $0x3  }
0x33: {  	p0 =	seq.s32 s10, $0x1;
	s10 =	sld [smem:$0x3FAE];
	_ =	sdelay $0x3  }
0x34: {  	[smem:$0x3FAE] =	sst s10  }
0x35: {  	s10 =	sld [smem:$0x3FAD];
	_ =	sdelay $0x3  }
0x36: {  	p1 =	seq.s32 s10, $0x1;
	s10 =	sld [smem:$0x3FAE];
	_ =	sdelay $0x3  }
0x37: {  	[smem:$0x3FAE] =	sst s10  }
0x38: {  	s10 =	sld [smem:$0x3FAF]  }
0x39: {  	_ = 	snop;
	(pc) =	sbr.ind lr, $3  }
0x3a: {  	_ = 	snop  }
0x3b: {  	_ = 	snop  }
0x3c: {  	p2 =	seq.s32 s10, $0x1;
	s10 =	sld [smem:$0x3FAE]  }
0x3d: {  	_ =	shalt  }
0x3e: {  	_ =	shalt  }
0x3f: {  	_ =	shalt  }
0x40: {  	_ =	shalt  }
0x41: {  	_ =	shalt  }
0x42: {  	_ =	shalt  }
0x43: {  	_ =	shalt  }
0x44: {  	_ =	shalt  }
0x45: {  	_ =	shalt  }
0x46: {  	_ =	shalt  }
0x47: {  	_ =	shalt  }
0x48: {  	_ =	shalt  }
0x49: {  	_ =	shalt  }
0x4a: {  	_ =	shalt  }
0x4b: {  	_ =	shalt  }
0x4c: {  	_ =	shalt  }
0x4d: {  	_ =	shalt  }
0x4e: {  	_ =	shalt  }
0x4f: {  	_ =	shalt  }
0x50: {  	_ =	shalt  }
0x51: {  	_ =	shalt  }
0x52: {  	_ =	shalt  }
0x53: {  	_ =	shalt  }
0x54: {  	_ =	shalt  }
0x55: {  	_ =	shalt  }
0x56: {  	_ =	shalt  }
0x57: {  	_ =	shalt  }
0x58: {  	_ =	shalt  }
0x59: {  	_ =	shalt  }
0x5a: {  	_ =	shalt  }
0x5b: {  	_ =	shalt  }
0x5c: {  	_ =	shalt  }
0x5d: {  	_ =	shalt  }
0x5e: {  	_ =	shalt  }
0x5f: {  	_ =	shalt  }
0x60: {  	_ =	shalt  }
0x61: {  	_ =	shalt  }
0x62: {  	_ =	shalt  }
0x63: {  	_ =	shalt  }
0x64: {  	_ =	shalt  }
0x65: {  	_ =	shalt  }
0x66: {  	_ =	shalt  }
0x67: {  	_ =	shalt  }
0x68: {  	_ =	shalt  }
0x69: {  	_ =	shalt  }
0x6a: {  	_ =	shalt  }
0x6b: {  	_ =	shalt  }
0x6c: {  	_ =	shalt  }
0x6d: {  	_ =	shalt  }
0x6e: {  	_ =	shalt  }
0x6f: {  	_ =	shalt  }
0x70: {  	_ =	shalt  }
0x71: {  	_ =	shalt  }
0x72: {  	_ =	shalt  }
0x73: {  	_ =	shalt  }
0x74: {  	_ =	shalt  }
0x75: {  	_ =	shalt  }
0x76: {  	_ =	shalt  }
0x77: {  	_ =	shalt  }
0x78: {  	_ =	shalt  }
0x79: {  	_ =	shalt  }
0x7a: {  	_ =	shalt  }
0x7b: {  	_ =	shalt  }
0x7c: {  	_ =	shalt  }
0x7d: {  	_ =	shalt  }
0x7e: {  	_ =	shalt  }
0x7f: {  	_ =	shalt  }
0x80: {  	_ =	shalt  }
0x81: {  	_ =	shalt  }
0x82: {  	_ =	shalt  }
0x83: {  	_ =	shalt  }
0x84: {  	_ =	shalt  }
0x85: {  	_ =	shalt  }
0x86: {  	_ =	shalt  }
0x87: {  	_ =	shalt  }
.Lfunc_end0:
.L_simem_size_0:
called_computation_lowered:
.L_overlay_start_0:
0x88: {  	s2 =	sld [smem:$0x3FD9]  }
0x89: {  	s3 =	sld [smem:$0x3FFE];
	_ =	sdelay $0x1  }
0x8a: {  	s1 =	srdreg.scid  }
0x8b: {  	s0 =	sand.u32 $0x1, s1  }
0x8c: {  	s16 =	sshll.u32 s0, $0xA;
	s2 =	sadd.s32 s3, s2  }
0x8d: {  	s2 =	sadd.s32 s2, s16  }
0x8e: {  	[smem:$0x3FBA] =	sst s2  }
0x8f: {  	_ = 	snop  }
0x90: {  	(tm) =	ssettm $0x1  }
0x91: {  	s17 =	sld [smem:$0x3FFB];
	_ =	sdelay $0x3  }
0x92: {  	_ =	strace s17  }
0x93: {  	s2 =	sld [smem:$0x3FFC];
	_ =	sdelay $0x3  }
0x94: {  	_ =	strace s2  }
0x95: {  	s2 =	sld [smem:$0x3FFD];
	_ =	sdelay $0x3  }
0x96: {  	_ =	strace s2  }
0x97: {  	_ =	strace $0x8FFFFFFF  }
0x98: {  	s18 =	sld [smem:$0x3FDB];
	_ =	sdelay $0x1  }
0x99: {  	s19 =	simm.s32 $_scs_section_size  }
0x9a: {  	s4 =	simm.s32 $_size__tile_overlayer_lowered;
	s5 =	simm.s32 $_tile_overlayer_lowered  }
0x9b: {  	s22 =	simm.s32 $0x1BFF;
	s21 =	sshll.u32 s5, $0x1;
	s2 =	sadd.s32 s19, s18  }
0x9c: {  	s6 =	simm.s32 $0x0;
	s20 =	sshll.u32 s4, $0x1;
	s4 =	sadd.s32 s21, s2  }
0x9d: {  	[timem:s6], [sflag:s22] =	dma.local [hbm:s4], s20  }
0x9e: {  	_ =	swait.ge [sflag:s22], s20  }
0x9f: {  	s3 =	ssub.s32 $0x0, s20;
	[sflag:s22] =	ssyncset.done $0x0  }
0xa0: {  	[sflag:s22] =	ssyncadd.s32 s3;
	_ =	sdelay $0x1  }
0xa1: {  	s23 =	simm.s32 $0x1B8B  }
0xa2: {  	_ =	swait.ge [sflag:s23], $0x1  }
0xa3: {  	[sflag:s23] =	ssyncset.done $0x0  }
0xa4: {  	s25 =	simm.s32 $0x1B8E;
	s24 =	sld [smem:$0x3FFE];
	[sflag:s23] =	ssyncadd.s32 $0xFFFFFFFF  }
0xa5: {  	s26 =	simm.s32 $execute0_lowered;
	[smem:$0x3FD2] =	sst s25  }
0xa6: {  	s4 =	sshll.u32 s26, $0x1;
	_ =	strace $0x80000046;
	[dreg:$0x1] =	wrdreg $0xFFFFFFFF  }
0xa7: {  	s28 =	simm.s32 $_size_execute0_lowered;
	s2 =	sadd.s32 s2, s4;
	[dreg:$0x0] =	wrdreg $0x0  }
0xa8: {  	s4 =	sshll.u32 s28, $0x1;
	[dreg:$0x2] =	wrdreg s2  }
0xa9: {  	[dreg:$0x3] =	wrdreg s4  }
0xaa: {  	[dreg:$0x4] =	wrdreg $0xC0  }
0xab: {  	_ =	task [dreg:s6], $0x5FFFF  }
0xac: {  	[dreg:$0x1] =	wrdreg $0xFFFFFFFF  }
0xad: {  	[dreg:$0x0] =	wrdreg $0x60  }
0xae: {  	[dreg:$0x2] =	wrdreg s24  }
0xaf: {  	[dreg:$0x3] =	wrdreg $0x9  }
0xb0: {  	_ =	task.clear_ibuf [dreg:s6], $0x4FFFF;
	_ =	strace $0x90000046  }
0xb1: {  	s29 =	simm.s32 $0x9;
	_ =	strace $0x80000048  }
0xb2: {  	_ =	swait.ge [sflag:s29], $0x1  }
0xb3: {  	[sflag:s29] =	ssyncadd.s32 $0xFFFFFFFF  }
0xb4: {  	_ =	strace $0x90000048  }
0xb5: {  	_ =	sfence  }
0xb6: {  	s30 =	sld [smem:$0x0];
	_ =	sdelay $0x2  }
0xb7: {  	s31 =	sshll.u32 s1, $0xD;
	s1 =	sshrl.u32 s1, $0x2  }
0xb8: {  	s3 =	sand.u32 $0x4000, s31;
	s1 =	sadd.s32 s1, s30  }
0xb9: {  	s0 =	sor.u32 s3, s0;
	s1 =	sshll.u32 s1, $0x11  }
0xba: {  	s0 =	sor.u32 s1, s0  }
0xbb: {  	s0 =	sadd.s32 $0x8F2B, s0  }
0xbc: {  	[sflag:s0] =	ssyncadd.remote.s32 $0x1  }
0xbd: {  	_ =	sfence.sel $0xFFFF  }
0xbe: {  	[dreg:$0x0] =	wrdreg $0xFFFFFFFF;
	(pc) =	sbr.abs _section_cstart, $3  }
0xbf: {  	[dreg:$0x1] =	wrdreg $0xFFFFFFFF  }
0xc0: {  	_ =	task.clear_ibuf [dreg:s6], $0x2FFFF;
	_ =	strace $0x9FFFFFFF  }
0xc1: {  	(tm) =	ssettm $0x7FFFFFFF  }
tec
execute0_lowered:
.L_overlay_start_1:
0x0: {  	(tag) =	ssettag $0x1  }
0x1: {  	s1 =	srdreg.scid  }
0x2: {  	s0 =	stileid.u32;
	s6 =	rddreg [dreg:$0x0];
	s2 =	simm.s32 $0x0  }
0x3: {  	s29 =	simm.s32 $0x3C00;
	s30 =	simm.s32 $0x7480;
	s31 =	simm.s32 $0x4400  }
0x4: {  	s13 =	simm.s32 $0x7500;
	s14 =	simm.s32 $0x7580;
	s15 =	simm.s32 $0x5400  }
0x5: {  	s16 =	simm.s32 $0x7600;
	s17 =	simm.s32 $0x5C00;
	s18 =	simm.s32 $0x7680  }
0x6: {  	s19 =	simm.s32 $0x6400;
	s20 =	simm.s32 $0x7700;
	s21 =	simm.s32 $0x6C00  }
0x7: {  	s22 =	simm.s32 $0x7780;
	s5 =	sand.u32 $0x1, s1;
	s23 =	sshll.u32 s0, $0x1  }
0x8: {  	[smem:$0x7FF] =	sst s2;
	s7 =	smul.u32 $0x6800, s0;
	s4 =	sadd.s32 $0x505400, s6  }
0x9: {  	s10 =	smul.u32 $0xD000, s0;
	_ =	strace $0x80000047;
	[dreg:$0x2] =	wrdreg s29  }
0xa: {  	s3 =	sor.u32 s5, s23;
	s8 =	smul.u32 $0x3400, s5;
	[dreg:$0x3] =	wrdreg s30  }
0xb: {  	s24 =	ssub.s32 $0x2, s5;
	s12 =	smul.u32 $0x6800, s5;
	[dreg:$0x4] =	wrdreg s31  }
0xc: {  	[dreg:$0x5] =	wrdreg s13;
	s13 =	simm.s32 $0x4C00;
	s23 =	simm.s32 $0x1  }
0xd: {  	s3 =	smul.u32 $0x680, s3;
	s11 =	sshrl.u32 s24, $0x1;
	s10 =	sadd.s32 s10, s6  }
0xe: {  	s7 =	sadd.s32 s8, s7;
	s25 =	ssub.s32 s24, s11;
	s28 =	sadd.s32 s12, s10  }
0xf: {  	s10 =	simm.s32 $0x80;
	s11 =	simm.s32 $0x3400;
	s12 =	simm.s32 $0x7400  }
0x10: {  	s24 =	simm.s32 $0x2;
	s9 =	sadd.s32 s3, s6;
	s7 =	sshrl.u32 s7, $0x3  }
0x11: {  	s3 =	sadd.s32 $0xFA00, s6;
	s8 =	sadd.s32 $0x554A00, s28;
	s6 =	sadd.s32 s7, s6  }
0x12: {  	s26 =	sadd.s32 $0x2A00, s9;
	s7 =	smax.u32 s25, $0x1;
	s9 =	simm.s32 $0x3  }
0x13: {  	s25 =	simm.s32 $0x0;
	[dreg:$0x6] =	wrdreg s26;
	s6 =	sadd.s32 $0x624A00, s6  }
.LBB2_1:
0x14: {  	s0 =	rddreg [dreg:$0x6]  }
0x15: {  	[tilespmem:s2], [sflag:$0x3] =	stream.linear.gather [hbm4b:s0+s2], $0x3400, $0x38;
	[tilespmem:$0x7800] =	vst v63  }
0x16: {  	_ =	swait.ge [sflag:s9], $0x3400  }
0x17: {  	[sflag:s9] =	ssyncset.done $0x0  }
0x18: {  	s26 =	simm.s32 $0x0;
	[sflag:s9] =	ssyncadd.s32 $0xFFFFCC00  }
0x19: {  	[tilespmem:s11], [sflag:$0x1] =	stream.indirect.gather [hbm4b:s3+s10], $0x10, s26, s10, $0xb8;
	[tilespmem:$0x7800] =	vst v63  }
0x1a: {  	_ = 	snop  }
0x1b: {  	[tilespmem:s12], [sflag:$0x2] =	stream.indirect.gather [hbm4b:s4+s10], $0x1, s26, s10, $0xb8;
	[tilespmem:$0x7800] =	vst v63  }
0x1c: {  	s1 =	simm.s32 $0x80;
	s28 =	rddreg [dreg:$0x2]  }
0x1d: {  	[tilespmem:s28], [sflag:$0x1] =	stream.indirect.gather [hbm4b:s3+s10], $0x10, s1, s10, $0xb8;
	[tilespmem:$0x7800] =	vst v63  }
0x1e: {  	s29 =	rddreg [dreg:$0x3]  }
0x1f: {  	[tilespmem:s29], [sflag:$0x2] =	stream.indirect.gather [hbm4b:s4+s10], $0x1, s1, s10, $0xb8;
	[tilespmem:$0x7800] =	vst v63  }
0x20: {  	s5 =	simm.s32 $0x100;
	s28 =	rddreg [dreg:$0x4]  }
0x21: {  	[tilespmem:s28], [sflag:$0x1] =	stream.indirect.gather [hbm4b:s3+s10], $0x10, s5, s10, $0xb8;
	[tilespmem:$0x7800] =	vst v63  }
0x22: {  	s29 =	rddreg [dreg:$0x5]  }
0x23: {  	[tilespmem:s29], [sflag:$0x2] =	stream.indirect.gather [hbm4b:s4+s10], $0x1, s5, s10, $0xb8;
	[tilespmem:$0x7800] =	vst v63  }
0x24: {  	s30 =	simm.s32 $0x180  }
0x25: {  	[tilespmem:s13], [sflag:$0x1] =	stream.indirect.gather [hbm4b:s3+s10], $0x10, s30, s10, $0xb8;
	[tilespmem:$0x7800] =	vst v63  }
0x26: {  	_ = 	snop  }
0x27: {  	[tilespmem:s14], [sflag:$0x2] =	stream.indirect.gather [hbm4b:s4+s10], $0x1, s30, s10, $0xb8;
	[tilespmem:$0x7800] =	vst v63  }
0x28: {  	s0 =	simm.s32 $0x200  }
0x29: {  	[tilespmem:s15], [sflag:$0x1] =	stream.indirect.gather [hbm4b:s3+s10], $0x10, s0, s10, $0xb8;
	[tilespmem:$0x7800] =	vst v63  }
0x2a: {  	_ = 	snop  }
0x2b: {  	[tilespmem:s16], [sflag:$0x2] =	stream.indirect.gather [hbm4b:s4+s10], $0x1, s0, s10, $0xb8;
	[tilespmem:$0x7800] =	vst v63  }
0x2c: {  	s1 =	simm.s32 $0x280  }
0x2d: {  	[tilespmem:s17], [sflag:$0x1] =	stream.indirect.gather [hbm4b:s3+s10], $0x10, s1, s10, $0xb8;
	[tilespmem:$0x7800] =	vst v63  }
0x2e: {  	_ = 	snop  }
0x2f: {  	[tilespmem:s18], [sflag:$0x2] =	stream.indirect.gather [hbm4b:s4+s10], $0x1, s1, s10, $0xb8;
	[tilespmem:$0x7800] =	vst v63  }
0x30: {  	s5 =	simm.s32 $0x300  }
0x31: {  	[tilespmem:s19], [sflag:$0x1] =	stream.indirect.gather [hbm4b:s3+s10], $0x10, s5, s10, $0xb8;
	[tilespmem:$0x7800] =	vst v63  }
0x32: {  	_ = 	snop  }
0x33: {  	[tilespmem:s20], [sflag:$0x2] =	stream.indirect.gather [hbm4b:s4+s10], $0x1, s5, s10, $0xb8;
	[tilespmem:$0x7800] =	vst v63  }
0x34: {  	s30 =	simm.s32 $0x380  }
0x35: {  	[tilespmem:s21], [sflag:$0x1] =	stream.indirect.gather [hbm4b:s3+s10], $0x10, s30, s10, $0xb8;
	[tilespmem:$0x7800] =	vst v63  }
0x36: {  	_ = 	snop  }
0x37: {  	[tilespmem:s22], [sflag:$0x2] =	stream.indirect.gather [hbm4b:s4+s10], $0x1, s30, s10, $0xb8;
	[tilespmem:$0x7800] =	vst v63  }
0x38: {  	_ =	swait.ge [sflag:s23], $0x800  }
0x39: {  	[sflag:s23] =	ssyncset.done $0x0  }
0x3a: {  	[sflag:s23] =	ssyncadd.s32 $0xFFFFF800  }
0x3b: {  	_ =	swait.ge [sflag:s24], $0x80  }
0x3c: {  	[sflag:s24] =	ssyncset.done $0x0  }
0x3d: {  	[sflag:s24] =	ssyncadd.s32 $0xFFFFFF80  }
0x3e: {  	_ =	swait.ge [sflag:s23], $0x800  }
0x3f: {  	[sflag:s23] =	ssyncset.done $0x0  }
0x40: {  	[sflag:s23] =	ssyncadd.s32 $0xFFFFF800  }
0x41: {  	_ =	swait.ge [sflag:s24], $0x80  }
0x42: {  	[sflag:s24] =	ssyncset.done $0x0  }
0x43: {  	[sflag:s24] =	ssyncadd.s32 $0xFFFFFF80  }
0x44: {  	_ =	swait.ge [sflag:s23], $0x800  }
0x45: {  	[sflag:s23] =	ssyncset.done $0x0  }
0x46: {  	[sflag:s23] =	ssyncadd.s32 $0xFFFFF800  }
0x47: {  	_ =	swait.ge [sflag:s24], $0x80  }
0x48: {  	[sflag:s24] =	ssyncset.done $0x0  }
0x49: {  	[sflag:s24] =	ssyncadd.s32 $0xFFFFFF80  }
0x4a: {  	_ =	swait.ge [sflag:s23], $0x800  }
0x4b: {  	[sflag:s23] =	ssyncset.done $0x0  }
0x4c: {  	[sflag:s23] =	ssyncadd.s32 $0xFFFFF800  }
0x4d: {  	_ =	swait.ge [sflag:s24], $0x80  }
0x4e: {  	[sflag:s24] =	ssyncset.done $0x0  }
0x4f: {  	[sflag:s24] =	ssyncadd.s32 $0xFFFFFF80  }
0x50: {  	_ =	swait.ge [sflag:s23], $0x800  }
0x51: {  	[sflag:s23] =	ssyncset.done $0x0  }
0x52: {  	[sflag:s23] =	ssyncadd.s32 $0xFFFFF800  }
0x53: {  	_ =	swait.ge [sflag:s24], $0x80  }
0x54: {  	[sflag:s24] =	ssyncset.done $0x0  }
0x55: {  	[sflag:s24] =	ssyncadd.s32 $0xFFFFFF80  }
0x56: {  	_ =	swait.ge [sflag:s23], $0x800  }
0x57: {  	[sflag:s23] =	ssyncset.done $0x0  }
0x58: {  	[sflag:s23] =	ssyncadd.s32 $0xFFFFF800  }
0x59: {  	_ =	swait.ge [sflag:s24], $0x80  }
0x5a: {  	[sflag:s24] =	ssyncset.done $0x0  }
0x5b: {  	[sflag:s24] =	ssyncadd.s32 $0xFFFFFF80  }
0x5c: {  	_ =	swait.ge [sflag:s23], $0x800  }
0x5d: {  	[sflag:s23] =	ssyncset.done $0x0  }
0x5e: {  	[sflag:s23] =	ssyncadd.s32 $0xFFFFF800  }
0x5f: {  	_ =	swait.ge [sflag:s24], $0x80  }
0x60: {  	[sflag:s24] =	ssyncset.done $0x0  }
0x61: {  	[sflag:s24] =	ssyncadd.s32 $0xFFFFFF80  }
0x62: {  	_ =	swait.ge [sflag:s23], $0x800  }
0x63: {  	[sflag:s23] =	ssyncset.done $0x0  }
0x64: {  	[sflag:s23] =	ssyncadd.s32 $0xFFFFF800  }
0x65: {  	_ =	swait.ge [sflag:s24], $0x80  }
0x66: {  	[sflag:s24] =	ssyncset.done $0x0  }
0x67: {  	[sflag:s24] =	ssyncadd.s32 $0xFFFFFF80  }
0x68: {  	[hbm4b:s8+s2] =	stream.linear.scatter [tilespmem:s11], [sflag:$0x3], $0x4000, $0x38;
	[tilespmem:$0x7800] =	vst v63  }
0x69: {  	_ =	swait.ge [sflag:s9], $0x4000  }
0x6a: {  	[sflag:s9] =	ssyncset.done $0x0  }
0x6b: {  	[sflag:s9] =	ssyncadd.s32 $0xFFFFC000  }
0x6c: {  	[hbm4b:s6+s2] =	stream.linear.scatter [tilespmem:s12], [sflag:$0x3], $0x400, $0x38;
	[tilespmem:$0x7800] =	vst v63  }
0x6d: {  	s31 =	simm.s32 $0x2000;
	s26 =	sadd.s32 $0x80, s6;
	_ =	swait.ge [sflag:s9], $0x400  }
0x6e: {  	s28 =	sadd.s32 $0x800, s8;
	s29 =	simm.s32 $0x1000;
	[sflag:s9] =	ssyncset.done $0x0  }
.LBB2_2:
0x6f: {  	s1 =	sshra.s32 s29, $0x2;
	[sflag:s9] =	ssyncadd.s32 $0xFFFFFC00  }
0x70: {  	[tilespmem:s11], [sflag:$0x1] =	stream.indirect.gather [hbm4b:s3+s10], $0x10, s1, s10, $0xb8;
	[tilespmem:$0x7800] =	vst v63  }
0x71: {  	s29 =	smov.u32 s31;
	s30 =	sadd.s32 $0x1000, s31  }
0x72: {  	[tilespmem:s12], [sflag:$0x2] =	stream.indirect.gather [hbm4b:s4+s10], $0x1, s1, s10, $0xb8;
	[tilespmem:$0x7800] =	vst v63  }
0x73: {  	p0 =	sne.s32 s31, $0xC000;
	s31 =	rddreg [dreg:$0x2];
	s0 =	sadd.s32 $0x80, s1  }
0x74: {  	[tilespmem:s31], [sflag:$0x1] =	stream.indirect.gather [hbm4b:s3+s10], $0x10, s0, s10, $0xb8;
	[tilespmem:$0x7800] =	vst v63  }
0x75: {  	s5 =	rddreg [dreg:$0x3]  }
0x76: {  	[tilespmem:s5], [sflag:$0x2] =	stream.indirect.gather [hbm4b:s4+s10], $0x1, s0, s10, $0xb8;
	[tilespmem:$0x7800] =	vst v63  }
0x77: {  	s31 =	rddreg [dreg:$0x4];
	s0 =	sadd.s32 $0x100, s1  }
0x78: {  	[tilespmem:s31], [sflag:$0x1] =	stream.indirect.gather [hbm4b:s3+s10], $0x10, s0, s10, $0xb8;
	[tilespmem:$0x7800] =	vst v63  }
0x79: {  	s5 =	rddreg [dreg:$0x5]  }
0x7a: {  	[tilespmem:s5], [sflag:$0x2] =	stream.indirect.gather [hbm4b:s4+s10], $0x1, s0, s10, $0xb8;
	[tilespmem:$0x7800] =	vst v63  }
0x7b: {  	s5 =	sadd.s32 $0x180, s1  }
0x7c: {  	[tilespmem:s13], [sflag:$0x1] =	stream.indirect.gather [hbm4b:s3+s10], $0x10, s5, s10, $0xb8;
	[tilespmem:$0x7800] =	vst v63  }
0x7d: {  	_ = 	snop  }
0x7e: {  	[tilespmem:s14], [sflag:$0x2] =	stream.indirect.gather [hbm4b:s4+s10], $0x1, s5, s10, $0xb8;
	[tilespmem:$0x7800] =	vst v63  }
0x7f: {  	s5 =	sadd.s32 $0x200, s1  }
0x80: {  	[tilespmem:s15], [sflag:$0x1] =	stream.indirect.gather [hbm4b:s3+s10], $0x10, s5, s10, $0xb8;
	[tilespmem:$0x7800] =	vst v63  }
0x81: {  	_ = 	snop  }
0x82: {  	[tilespmem:s16], [sflag:$0x2] =	stream.indirect.gather [hbm4b:s4+s10], $0x1, s5, s10, $0xb8;
	[tilespmem:$0x7800] =	vst v63  }
0x83: {  	s5 =	sadd.s32 $0x280, s1  }
0x84: {  	[tilespmem:s17], [sflag:$0x1] =	stream.indirect.gather [hbm4b:s3+s10], $0x10, s5, s10, $0xb8;
	[tilespmem:$0x7800] =	vst v63  }
0x85: {  	_ = 	snop  }
0x86: {  	[tilespmem:s18], [sflag:$0x2] =	stream.indirect.gather [hbm4b:s4+s10], $0x1, s5, s10, $0xb8;
	[tilespmem:$0x7800] =	vst v63  }
0x87: {  	s5 =	sadd.s32 $0x300, s1  }
0x88: {  	[tilespmem:s19], [sflag:$0x1] =	stream.indirect.gather [hbm4b:s3+s10], $0x10, s5, s10, $0xb8;
	[tilespmem:$0x7800] =	vst v63  }
0x89: {  	_ = 	snop  }
0x8a: {  	[tilespmem:s20], [sflag:$0x2] =	stream.indirect.gather [hbm4b:s4+s10], $0x1, s5, s10, $0xb8;
	[tilespmem:$0x7800] =	vst v63  }
0x8b: {  	s5 =	sadd.s32 $0x380, s1  }
0x8c: {  	[tilespmem:s21], [sflag:$0x1] =	stream.indirect.gather [hbm4b:s3+s10], $0x10, s5, s10, $0xb8;
	[tilespmem:$0x7800] =	vst v63  }
0x8d: {  	_ = 	snop  }
0x8e: {  	[tilespmem:s22], [sflag:$0x2] =	stream.indirect.gather [hbm4b:s4+s10], $0x1, s5, s10, $0xb8;
	[tilespmem:$0x7800] =	vst v63  }
0x8f: {  	_ =	swait.ge [sflag:s23], $0x800  }
0x90: {  	[sflag:s23] =	ssyncset.done $0x0  }
0x91: {  	[sflag:s23] =	ssyncadd.s32 $0xFFFFF800  }
0x92: {  	_ =	swait.ge [sflag:s24], $0x80  }
0x93: {  	[sflag:s24] =	ssyncset.done $0x0  }
0x94: {  	[sflag:s24] =	ssyncadd.s32 $0xFFFFFF80  }
0x95: {  	_ =	swait.ge [sflag:s23], $0x800  }
0x96: {  	[sflag:s23] =	ssyncset.done $0x0  }
0x97: {  	[sflag:s23] =	ssyncadd.s32 $0xFFFFF800  }
0x98: {  	_ =	swait.ge [sflag:s24], $0x80  }
0x99: {  	[sflag:s24] =	ssyncset.done $0x0  }
0x9a: {  	[sflag:s24] =	ssyncadd.s32 $0xFFFFFF80  }
0x9b: {  	_ =	swait.ge [sflag:s23], $0x800  }
0x9c: {  	[sflag:s23] =	ssyncset.done $0x0  }
0x9d: {  	[sflag:s23] =	ssyncadd.s32 $0xFFFFF800  }
0x9e: {  	_ =	swait.ge [sflag:s24], $0x80  }
0x9f: {  	[sflag:s24] =	ssyncset.done $0x0  }
0xa0: {  	[sflag:s24] =	ssyncadd.s32 $0xFFFFFF80  }
0xa1: {  	_ =	swait.ge [sflag:s23], $0x800  }
0xa2: {  	[sflag:s23] =	ssyncset.done $0x0  }
0xa3: {  	[sflag:s23] =	ssyncadd.s32 $0xFFFFF800  }
0xa4: {  	_ =	swait.ge [sflag:s24], $0x80  }
0xa5: {  	[sflag:s24] =	ssyncset.done $0x0  }
0xa6: {  	[sflag:s24] =	ssyncadd.s32 $0xFFFFFF80  }
0xa7: {  	_ =	swait.ge [sflag:s23], $0x800  }
0xa8: {  	[sflag:s23] =	ssyncset.done $0x0  }
0xa9: {  	[sflag:s23] =	ssyncadd.s32 $0xFFFFF800  }
0xaa: {  	_ =	swait.ge [sflag:s24], $0x80  }
0xab: {  	[sflag:s24] =	ssyncset.done $0x0  }
0xac: {  	[sflag:s24] =	ssyncadd.s32 $0xFFFFFF80  }
0xad: {  	_ =	swait.ge [sflag:s23], $0x800  }
0xae: {  	[sflag:s23] =	ssyncset.done $0x0  }
0xaf: {  	[sflag:s23] =	ssyncadd.s32 $0xFFFFF800  }
0xb0: {  	_ =	swait.ge [sflag:s24], $0x80  }
0xb1: {  	[sflag:s24] =	ssyncset.done $0x0  }
0xb2: {  	[sflag:s24] =	ssyncadd.s32 $0xFFFFFF80  }
0xb3: {  	_ =	swait.ge [sflag:s23], $0x800  }
0xb4: {  	[sflag:s23] =	ssyncset.done $0x0  }
0xb5: {  	[sflag:s23] =	ssyncadd.s32 $0xFFFFF800  }
0xb6: {  	_ =	swait.ge [sflag:s24], $0x80  }
0xb7: {  	[sflag:s24] =	ssyncset.done $0x0  }
0xb8: {  	[sflag:s24] =	ssyncadd.s32 $0xFFFFFF80  }
0xb9: {  	_ =	swait.ge [sflag:s23], $0x800  }
0xba: {  	[sflag:s23] =	ssyncset.done $0x0  }
0xbb: {  	[sflag:s23] =	ssyncadd.s32 $0xFFFFF800  }
0xbc: {  	_ =	swait.ge [sflag:s24], $0x80  }
0xbd: {  	[sflag:s24] =	ssyncset.done $0x0  }
0xbe: {  	[sflag:s24] =	ssyncadd.s32 $0xFFFFFF80  }
0xbf: {  	[hbm4b:s28+s2] =	stream.linear.scatter [tilespmem:s11], [sflag:$0x3], $0x4000, $0x38;
	[tilespmem:$0x7800] =	vst v63  }
0xc0: {  	_ =	swait.ge [sflag:s9], $0x4000  }
.Ltmp0:
0xc1: {  	[sflag:s9] =	ssyncset.done $0x0;
	(pc) =	sbr.rel @p0 .LBB2_2-.Ltmp0, $4  }
0xc2: {  	[sflag:s9] =	ssyncadd.s32 $0xFFFFC000  }
0xc3: {  	[hbm4b:s26+s2] =	stream.linear.scatter [tilespmem:s12], [sflag:$0x3], $0x400, $0x38;
	[tilespmem:$0x7800] =	vst v63  }
0xc4: {  	s31 =	smov.u32 s30;
	_ =	swait.ge [sflag:s9], $0x400  }
0xc5: {  	s28 =	sadd.s32 $0x800, s28;
	s26 =	sadd.s32 $0x80, s26;
	[sflag:s9] =	ssyncset.done $0x0  }
0xc6: {  	s0 =	sshra.s32 s29, $0x2;
	[sflag:s9] =	ssyncadd.s32 $0xFFFFFC00  }
0xc7: {  	[tilespmem:s11], [sflag:$0x1] =	stream.indirect.gather [hbm4b:s3+s10], $0x10, s0, s10, $0xb8;
	[tilespmem:$0x7800] =	vst v63  }
0xc8: {  	_ = 	snop  }
0xc9: {  	[tilespmem:s12], [sflag:$0x2] =	stream.indirect.gather [hbm4b:s4+s10], $0x1, s0, s10, $0xb8;
	[tilespmem:$0x7800] =	vst v63  }
0xca: {  	s1 =	rddreg [dreg:$0x2];
	s5 =	sadd.s32 $0x80, s0  }
0xcb: {  	[tilespmem:s1], [sflag:$0x1] =	stream.indirect.gather [hbm4b:s3+s10], $0x10, s5, s10, $0xb8;
	[tilespmem:$0x7800] =	vst v63  }
0xcc: {  	s31 =	rddreg [dreg:$0x3]  }
0xcd: {  	[tilespmem:s31], [sflag:$0x2] =	stream.indirect.gather [hbm4b:s4+s10], $0x1, s5, s10, $0xb8;
	[tilespmem:$0x7800] =	vst v63  }
0xce: {  	s30 =	sadd.s32 $0x100, s0;
	s1 =	rddreg [dreg:$0x4]  }
0xcf: {  	[tilespmem:s1], [sflag:$0x1] =	stream.indirect.gather [hbm4b:s3+s10], $0x10, s30, s10, $0xb8;
	[tilespmem:$0x7800] =	vst v63  }
0xd0: {  	s31 =	rddreg [dreg:$0x5]  }
0xd1: {  	[tilespmem:s31], [sflag:$0x2] =	stream.indirect.gather [hbm4b:s4+s10], $0x1, s30, s10, $0xb8;
	[tilespmem:$0x7800] =	vst v63  }
0xd2: {  	s5 =	sadd.s32 $0x180, s0  }
0xd3: {  	[tilespmem:s13], [sflag:$0x1] =	stream.indirect.gather [hbm4b:s3+s10], $0x10, s5, s10, $0xb8;
	[tilespmem:$0x7800] =	vst v63  }
0xd4: {  	_ = 	snop  }
0xd5: {  	[tilespmem:s14], [sflag:$0x2] =	stream.indirect.gather [hbm4b:s4+s10], $0x1, s5, s10, $0xb8;
	[tilespmem:$0x7800] =	vst v63  }
0xd6: {  	s29 =	sadd.s32 $0x200, s0  }
0xd7: {  	[tilespmem:s15], [sflag:$0x1] =	stream.indirect.gather [hbm4b:s3+s10], $0x10, s29, s10, $0xb8;
	[tilespmem:$0x7800] =	vst v63  }
0xd8: {  	_ = 	snop  }
0xd9: {  	[tilespmem:s16], [sflag:$0x2] =	stream.indirect.gather [hbm4b:s4+s10], $0x1, s29, s10, $0xb8;
	[tilespmem:$0x7800] =	vst v63  }
0xda: {  	s30 =	sadd.s32 $0x280, s0  }
0xdb: {  	[tilespmem:s17], [sflag:$0x1] =	stream.indirect.gather [hbm4b:s3+s10], $0x10, s30, s10, $0xb8;
	[tilespmem:$0x7800] =	vst v63  }
0xdc: {  	_ = 	snop  }
0xdd: {  	[tilespmem:s18], [sflag:$0x2] =	stream.indirect.gather [hbm4b:s4+s10], $0x1, s30, s10, $0xb8;
	[tilespmem:$0x7800] =	vst v63  }
0xde: {  	s31 =	sadd.s32 $0x300, s0  }
0xdf: {  	[tilespmem:s19], [sflag:$0x1] =	stream.indirect.gather [hbm4b:s3+s10], $0x10, s31, s10, $0xb8;
	[tilespmem:$0x7800] =	vst v63  }
0xe0: {  	_ = 	snop  }
0xe1: {  	[tilespmem:s20], [sflag:$0x2] =	stream.indirect.gather [hbm4b:s4+s10], $0x1, s31, s10, $0xb8;
	[tilespmem:$0x7800] =	vst v63  }
0xe2: {  	s0 =	sadd.s32 $0x380, s0  }
0xe3: {  	[tilespmem:s21], [sflag:$0x1] =	stream.indirect.gather [hbm4b:s3+s10], $0x10, s0, s10, $0xb8;
	[tilespmem:$0x7800] =	vst v63  }
0xe4: {  	_ = 	snop  }
0xe5: {  	[tilespmem:s22], [sflag:$0x2] =	stream.indirect.gather [hbm4b:s4+s10], $0x1, s0, s10, $0xb8;
	[tilespmem:$0x7800] =	vst v63  }
0xe6: {  	_ =	swait.ge [sflag:s23], $0x800  }
0xe7: {  	[sflag:s23] =	ssyncset.done $0x0  }
0xe8: {  	[sflag:s23] =	ssyncadd.s32 $0xFFFFF800  }
0xe9: {  	_ =	swait.ge [sflag:s24], $0x80  }
0xea: {  	[sflag:s24] =	ssyncset.done $0x0  }
0xeb: {  	[sflag:s24] =	ssyncadd.s32 $0xFFFFFF80  }
0xec: {  	_ =	swait.ge [sflag:s23], $0x800  }
0xed: {  	[sflag:s23] =	ssyncset.done $0x0  }
0xee: {  	[sflag:s23] =	ssyncadd.s32 $0xFFFFF800  }
0xef: {  	_ =	swait.ge [sflag:s24], $0x80  }
0xf0: {  	[sflag:s24] =	ssyncset.done $0x0  }
0xf1: {  	[sflag:s24] =	ssyncadd.s32 $0xFFFFFF80  }
0xf2: {  	_ =	swait.ge [sflag:s23], $0x800  }
0xf3: {  	[sflag:s23] =	ssyncset.done $0x0  }
0xf4: {  	[sflag:s23] =	ssyncadd.s32 $0xFFFFF800  }
0xf5: {  	_ =	swait.ge [sflag:s24], $0x80  }
0xf6: {  	[sflag:s24] =	ssyncset.done $0x0  }
0xf7: {  	[sflag:s24] =	ssyncadd.s32 $0xFFFFFF80  }
0xf8: {  	_ =	swait.ge [sflag:s23], $0x800  }
0xf9: {  	[sflag:s23] =	ssyncset.done $0x0  }
0xfa: {  	[sflag:s23] =	ssyncadd.s32 $0xFFFFF800  }
0xfb: {  	_ =	swait.ge [sflag:s24], $0x80  }
0xfc: {  	[sflag:s24] =	ssyncset.done $0x0  }
0xfd: {  	[sflag:s24] =	ssyncadd.s32 $0xFFFFFF80  }
0xfe: {  	_ =	swait.ge [sflag:s23], $0x800  }
0xff: {  	[sflag:s23] =	ssyncset.done $0x0  }
0x100: {  	[sflag:s23] =	ssyncadd.s32 $0xFFFFF800  }
0x101: {  	_ =	swait.ge [sflag:s24], $0x80  }
0x102: {  	[sflag:s24] =	ssyncset.done $0x0  }
0x103: {  	[sflag:s24] =	ssyncadd.s32 $0xFFFFFF80  }
0x104: {  	_ =	swait.ge [sflag:s23], $0x800  }
0x105: {  	[sflag:s23] =	ssyncset.done $0x0  }
0x106: {  	[sflag:s23] =	ssyncadd.s32 $0xFFFFF800  }
0x107: {  	_ =	swait.ge [sflag:s24], $0x80  }
0x108: {  	[sflag:s24] =	ssyncset.done $0x0  }
0x109: {  	[sflag:s24] =	ssyncadd.s32 $0xFFFFFF80  }
0x10a: {  	_ =	swait.ge [sflag:s23], $0x800  }
0x10b: {  	[sflag:s23] =	ssyncset.done $0x0  }
0x10c: {  	[sflag:s23] =	ssyncadd.s32 $0xFFFFF800  }
0x10d: {  	_ =	swait.ge [sflag:s24], $0x80  }
0x10e: {  	[sflag:s24] =	ssyncset.done $0x0  }
0x10f: {  	[sflag:s24] =	ssyncadd.s32 $0xFFFFFF80  }
0x110: {  	_ =	swait.ge [sflag:s23], $0x800  }
0x111: {  	[sflag:s23] =	ssyncset.done $0x0  }
0x112: {  	[sflag:s23] =	ssyncadd.s32 $0xFFFFF800  }
0x113: {  	_ =	swait.ge [sflag:s24], $0x80  }
0x114: {  	[sflag:s24] =	ssyncset.done $0x0  }
0x115: {  	[sflag:s24] =	ssyncadd.s32 $0xFFFFFF80  }
0x116: {  	[hbm4b:s28+s2] =	stream.linear.scatter [tilespmem:s11], [sflag:$0x3], $0x4000, $0x38;
	[tilespmem:$0x7800] =	vst v63  }
0x117: {  	s25 =	sadd.s32 $0x1, s25;
	_ =	swait.ge [sflag:s9], $0x4000  }
0x118: {  	p0 =	sne.s32 s25, s7;
	[sflag:s9] =	ssyncset.done $0x0  }
.Ltmp1:
0x119: {  	[sflag:s9] =	ssyncadd.s32 $0xFFFFC000;
	(pc) =	sbr.rel @p0 .LBB2_1-.Ltmp1, $4  }
0x11a: {  	[hbm4b:s26+s2] =	stream.linear.scatter [tilespmem:s12], [sflag:$0x3], $0x400, $0x38;
	[tilespmem:$0x7800] =	vst v63  }
0x11b: {  	_ =	swait.ge [sflag:s9], $0x400  }
0x11c: {  	[sflag:s9] =	ssyncset.done $0x0  }
0x11d: {  	[sflag:s9] =	ssyncadd.s32 $0xFFFFFC00  }
0x11e: {  	_ =	sfence.sel $0x180000  }
0x11f: {  	[bflag:$0x0] =	sbarrier.arrive $0xFFFF  }
0x120: {  	_ =	strace $0x90000047  }
0x121: {  	s0 =	stileid.u32;
	[bflag:$0x2] =	sbarrier.arrive $0xFFFF  }
0x122: {  	p0 =	sne.s32 s0, $0x0;
	s0 =	rddreg [dreg:$0x1]  }
0x123: {  	s0 =	sadd.s32 @!p0 $0x100000, s0  }
0x124: {  	[sflag:s0] =	ssyncadd.tile.s32 @!p0 $0x1;
	_ =	shalt  }
.Lfunc_end2:
_tile_overlayer_lowered:
.L_overlay_start_2:
0x125: {  	(tag) =	ssettag $0x2  }
0x126: {  	s0 =	rddreg [dreg:$0x0];
	s2 =	stileid.u32  }
0x127: {  	s1 =	rddreg [dreg:$0x1];
	p0 =	sne.s32 s2, $0x0  }
0x128: {  	s3 =	rddreg [dreg:$0x2];
	[bflag:$0x3] =	sbarrier.arrive $0xFFFF;
	s2 =	simm.s32 @!p0 $0x1C03  }
0x129: {  	[timem:s3], [sflag:s2] =	dma.local @!p0 [hbm:s0], s1  }
0x12a: {  	s0 =	simm.s32 @!p0 $0x3  }
0x12b: {  	_ =	swait.ge @!p0 [sflag:s0], s1  }
0x12c: {  	s1 =	ssub.s32 @!p0 $0x0, s1;
	[sflag:s0] =	ssyncset.done @!p0 $0x0  }
0x12d: {  	[sflag:s0] =	ssyncadd.s32 @!p0 s1  }
0x12e: {  	[bflag:$0x3] =	sbarrier.arrive $0xFFFF  }
0x12f: {  	_ =	shalt  }

</sc_bundles>
